<compile_context>
chip_gen: v7x
topology: tpu7x:2x2x1
jax: 0.10.2.dev20260603
libtpu: 0.0.44.dev20260713+nightly
codegen_flags: <defaults>
</compile_context>

<pallas_src>
import functools

import jax
import jax.numpy as jnp
from jax import lax
from jax.experimental import pallas as pl
from jax.experimental.pallas import tpu as pltpu
from jax.experimental.pallas import tpu_sc as plsc

_K = 8192
_D = 256
_B = 32768
_BR = 256
_NB = _B // _BR
_CC = 0.25


def _vq_body(x_ref, e_ref, idx_ref, enc_ref, cnt_ref, loss_ref, bsq_ref,
             cnt_acc, loss_acc):
    i = pl.program_id(0)

    @pl.when(i == 0)
    def _():
        e0 = e_ref[...]
        bsq_ref[...] = jnp.sum(e0 * e0, axis=1).reshape(1, _K)

    x = x_ref[...]
    a = jnp.sum(x * x, axis=1, keepdims=True)
    b = bsq_ref[...]
    c = jax.lax.dot_general(
        x, e_ref[...], (((1,), (1,)), ((), ())),
        preferred_element_type=jnp.float32)
    d = (a + b) - 2.0 * c
    dmin = jnp.min(d, axis=1, keepdims=True)
    col = jax.lax.broadcasted_iota(jnp.int32, (_BR, _K), 1)
    idx = jnp.min(jnp.where(d == dmin, col, _K), axis=1).astype(jnp.int32)
    idx_ref[0, 0, :] = idx
    onehot = (col == idx[:, None]).astype(jnp.float32)
    enc_ref[...] = onehot
    ones_row = jnp.ones((1, _BR), dtype=jnp.float32)
    pcnt = jax.lax.dot_general(
        ones_row, onehot, (((1,), (0,)), ((), ())),
        preferred_element_type=jnp.float32)
    ploss = jnp.sum(dmin.reshape(2, _BR // 2), axis=0, keepdims=True)

    @pl.when(i == 0)
    def _():
        cnt_acc[...] = pcnt
        loss_acc[...] = ploss

    @pl.when(i > 0)
    def _():
        cnt_acc[...] += pcnt
        loss_acc[...] += ploss

    @pl.when(i == _NB - 1)
    def _():
        cnt_ref[...] = cnt_acc[...]
        loss_ref[...] = loss_acc[...]


_vq_call = pl.pallas_call(
    _vq_body,
    grid=(_NB,),
    in_specs=[
        pl.BlockSpec((_BR, _D), lambda i: (i, 0)),
        pl.BlockSpec((_K, _D), lambda i: (0, 0)),
    ],
    out_specs=[
        pl.BlockSpec((1, 1, _BR), lambda i: (i, 0, 0)),
        pl.BlockSpec((_BR, _K), lambda i: (i, 0)),
        pl.BlockSpec((1, _K), lambda i: (0, 0)),
        pl.BlockSpec((1, _BR // 2), lambda i: (0, 0)),
    ],
    out_shape=[
        jax.ShapeDtypeStruct((_NB, 1, _BR), jnp.int32),
        jax.ShapeDtypeStruct((_B, _K), jnp.float32),
        jax.ShapeDtypeStruct((1, _K), jnp.float32),
        jax.ShapeDtypeStruct((1, _BR // 2), jnp.float32),
    ],
    scratch_shapes=[
        pltpu.VMEM((1, _K), jnp.float32),
        pltpu.VMEM((1, _K), jnp.float32),
        pltpu.VMEM((1, _BR // 2), jnp.float32),
    ],
)

_SC_INFO = plsc.get_sparse_core_info()
_NC = _SC_INFO.num_cores
_NS = _SC_INFO.num_subcores
_NW = _NC * _NS
_BPW = _B // _NW
_CH = 128
_NCH = _BPW // _CH


@functools.partial(
    pl.kernel,
    mesh=plsc.VectorSubcoreMesh(core_axis_name="c", subcore_axis_name="s"),
    out_type=jax.ShapeDtypeStruct((_B, _D), jnp.float32),
    scratch_types=[
        pltpu.VMEM((_BPW,), jnp.int32),
        pltpu.VMEM((_CH, _D), jnp.float32),
        pltpu.VMEM((_CH, _D), jnp.float32),
        pltpu.SemaphoreType.DMA,
        pltpu.SemaphoreType.DMA,
        pltpu.SemaphoreType.DMA,
        pltpu.SemaphoreType.DMA,
    ],
)
def _sc_gather(idx_hbm, table_hbm, out_hbm, idx_v, rows0, rows1, g0, g1,
               w0, w1):
    wid = lax.axis_index("s") * _NC + lax.axis_index("c")
    base = wid * _BPW
    pltpu.sync_copy(idx_hbm.at[pl.ds(base, _BPW)], idx_v)
    rows = (rows0, rows1)
    gsem = (g0, g1)
    wsem = (w0, w1)
    pltpu.async_copy(table_hbm.at[idx_v.at[pl.ds(0, _CH)]], rows0, g0)
    for ci in range(_NCH):
        p = ci % 2
        pltpu.make_async_copy(table_hbm.at[idx_v.at[pl.ds(ci * _CH, _CH)]],
                              rows[p], gsem[p]).wait()
        if ci + 1 < _NCH:
            if ci >= 1:
                pltpu.make_async_copy(
                    rows[(ci + 1) % 2],
                    out_hbm.at[pl.ds(base + (ci - 1) * _CH, _CH)],
                    wsem[(ci + 1) % 2]).wait()
            pltpu.async_copy(
                table_hbm.at[idx_v.at[pl.ds((ci + 1) * _CH, _CH)]],
                rows[(ci + 1) % 2], gsem[(ci + 1) % 2])
        pltpu.async_copy(rows[p], out_hbm.at[pl.ds(base + ci * _CH, _CH)],
                         wsem[p])
    pltpu.make_async_copy(rows[(_NCH - 2) % 2],
                          out_hbm.at[pl.ds(base + (_NCH - 2) * _CH, _CH)],
                          wsem[(_NCH - 2) % 2]).wait()
    pltpu.make_async_copy(rows[(_NCH - 1) % 2],
                          out_hbm.at[pl.ds(base + (_NCH - 1) * _CH, _CH)],
                          wsem[(_NCH - 1) % 2]).wait()


def kernel(inputs, label, embedding_weight):
    idx3, enc, cnt, losspart = _vq_call(inputs, embedding_weight)
    q = _sc_gather(idx3.reshape(_B), embedding_weight)
    a = jnp.sum(losspart) / (_B * _D)
    loss = a + _CC * a
    p = cnt[0] / _B
    perplexity = jnp.exp(-jnp.sum(p * jnp.log(p + 1e-10)))
    return (loss, q, perplexity, enc)

# --- scband reference (transcript-rebuilt; emitter-appended) ---
"""Pipeline reference for scband-vector-quantizer-normal-17841294148022 (READ-ONLY COPY).

The authoritative reference and input builder live on the scoring server;
editing this copy changes nothing except your own understanding.
"""

import jax, jax.numpy as jnp
import numpy as np

NUM_EMBEDDINGS = 8192
EMBEDDING_DIM = 256
COMMITMENT_COST = 0.25
B = 32768


def setup_inputs(seed: int = 0) -> dict:
    key = jax.random.key(seed)
    k1, k2, k3 = jax.random.split(key, 3)
    inputs = jax.random.normal(k1, (B, EMBEDDING_DIM), dtype=jnp.float32)
    label = jax.random.randint(k2, (B,), 0, NUM_EMBEDDINGS, dtype=jnp.int64)
    lim = 1.0 / NUM_EMBEDDINGS
    embedding_weight = jax.random.uniform(
        k3, (NUM_EMBEDDINGS, EMBEDDING_DIM), dtype=jnp.float32,
        minval=-lim, maxval=lim)
    return {"inputs": inputs, "label": label, "embedding_weight": embedding_weight}


def reference(inputs, label, embedding_weight):
    # distances: ||x||^2 + ||e||^2 - 2 x e^T
    distances = (jnp.sum(inputs ** 2, axis=1, keepdims=True)
                 + jnp.sum(embedding_weight ** 2, axis=1)
                 - 2.0 * jnp.matmul(inputs, embedding_weight.T))
    encoding_indices = jnp.argmin(distances, axis=1)
    encodings = jax.nn.one_hot(encoding_indices, NUM_EMBEDDINGS, dtype=jnp.float32)
    quantized = jnp.matmul(encodings, embedding_weight)
    e_latent_loss = jnp.mean((jax.lax.stop_gradient(quantized) - inputs) ** 2)
    q_latent_loss = jnp.mean((quantized - jax.lax.stop_gradient(inputs)) ** 2)
    loss = q_latent_loss + COMMITMENT_COST * e_latent_loss
    quantized_st = inputs + jax.lax.stop_gradient(quantized - inputs)
    avg_probs = jnp.mean(encodings, axis=0)
    perplexity = jnp.exp(-jnp.sum(avg_probs * jnp.log(avg_probs + 1e-10)))
    return (loss, quantized_st, perplexity, encodings)

if __name__ == "__main__":
    import jax
    _d = setup_inputs()
    print(jax.jit(kernel)(*tuple(_d.values())))

</pallas_src>

<mosaic_0001>
#map = affine_map<(d0, d1) -> (0)>
#map1 = affine_map<(d0, d1) -> (0, 0)>
module attributes {stable_mosaic.version = 14 : i64} {
  func.func @_sc_gather(%arg0: i32, %arg1: i32, %arg2: memref<32768xi32, #tpu.memory_space<hbm>>, %arg3: memref<8192x256xf32, #tpu.memory_space<hbm>>, %arg4: memref<32768x256xf32, #tpu.memory_space<hbm>>, %arg5: memref<1024xi32, #tpu.memory_space<vmem>>, %arg6: memref<128x256xf32, #tpu.memory_space<vmem>>, %arg7: memref<128x256xf32, #tpu.memory_space<vmem>>, %arg8: memref<!tpu.dma_semaphore, #tpu.memory_space<semaphore_mem>>, %arg9: memref<!tpu.dma_semaphore, #tpu.memory_space<semaphore_mem>>, %arg10: memref<!tpu.dma_semaphore, #tpu.memory_space<semaphore_mem>>, %arg11: memref<!tpu.dma_semaphore, #tpu.memory_space<semaphore_mem>>) attributes {dimension_semantics = [#tpu.dimension_semantics<core_parallel>, #tpu.dimension_semantics<subcore_parallel>], iteration_bounds = array<i64: 2, 16>, scalar_prefetch = 0 : i64, scratch_operands = 7 : i64, tpu.core_type = #tpu.core_type<sc_vector_subcore>, window_params = [{transform_indices = #map}, {transform_indices = #map1}, {transform_indices = #map1}]} {
    %mul3A = arith.constant 2 : i32
    %mul3A_0 = arith.muli %arg1, %mul3A : i32
    %add3A = arith.addi %mul3A_0, %arg0 : i32
    %mul3A_1 = arith.constant 1024 : i32
    %mul3A_2 = arith.muli %add3A, %mul3A_1 : i32
    "tpu.region"() ({
      %run_scoped3A = tpu.sem_alloc : memref<!tpu.dma_semaphore, #tpu.memory_space<semaphore_mem>>
      %dma_start3A_177 = tpu.memref_slice %arg2[%mul3A_2] : memref<32768xi32, #tpu.memory_space<hbm>> -> memref<1024xi32, #tpu.memory_space<hbm>>
      %dma_start3A_178 = tpu.memref_slice %arg2[%mul3A_2] : memref<32768xi32, #tpu.memory_space<hbm>> -> memref<1024xi32, #tpu.memory_space<hbm>>
      tpu.enqueue_dma source(%dma_start3A_178 : memref<1024xi32, #tpu.memory_space<hbm>>) target(%arg5 : memref<1024xi32, #tpu.memory_space<vmem>>) target_semaphore(%run_scoped3A : memref<!tpu.dma_semaphore, #tpu.memory_space<semaphore_mem>>)
      %dma_wait3A_179 = tpu.memref_slice %arg2[%mul3A_2] : memref<32768xi32, #tpu.memory_space<hbm>> -> memref<1024xi32, #tpu.memory_space<hbm>>
      %dma_wait3A_180 = tpu.memref_slice %arg2[%mul3A_2] : memref<32768xi32, #tpu.memory_space<hbm>> -> memref<1024xi32, #tpu.memory_space<hbm>>
      tpu.wait_dma2 semaphore(%run_scoped3A : memref<!tpu.dma_semaphore, #tpu.memory_space<semaphore_mem>>) src(%dma_wait3A_180 : memref<1024xi32, #tpu.memory_space<hbm>>) dst(%arg5 : memref<1024xi32, #tpu.memory_space<vmem>>)
      tpu.yield
    }) : () -> ()
    %dma_start3A = arith.constant 0 : i32
    %dma_start3A_3 = tpu.memref_slice %arg5[%dma_start3A] : memref<1024xi32, #tpu.memory_space<vmem>> -> memref<128xi32, #tpu.memory_space<vmem>>
    %dma_start3A_4 = arith.constant 0 : i32
    %dma_start3A_5 = arith.constant 0 : i32
    %dma_start3A_6 = tpu.memref_slice %arg3[%dma_start3A_4, %dma_start3A_5] : memref<8192x256xf32, #tpu.memory_space<hbm>> -> memref<8192x256xf32, #tpu.memory_space<hbm>>
    tpu.enqueue_indirect_dma source(%dma_start3A_6 : memref<8192x256xf32, #tpu.memory_space<hbm>>) target(%arg6 : memref<128x256xf32, #tpu.memory_space<vmem>>) offsets(%dma_start3A_3 : memref<128xi32, #tpu.memory_space<vmem>>) semaphore(%arg8 : memref<!tpu.dma_semaphore, #tpu.memory_space<semaphore_mem>>)
    %dma_wait3A = arith.constant 0 : i32
    %dma_wait3A_7 = tpu.memref_slice %arg5[%dma_wait3A] : memref<1024xi32, #tpu.memory_space<vmem>> -> memref<128xi32, #tpu.memory_space<vmem>>
    %dma_wait3A_8 = arith.constant 0 : i32
    %dma_wait3A_9 = arith.constant 0 : i32
    %dma_wait3A_10 = tpu.memref_slice %arg3[%dma_wait3A_8, %dma_wait3A_9] : memref<8192x256xf32, #tpu.memory_space<hbm>> -> memref<8192x256xf32, #tpu.memory_space<hbm>>
    tpu.wait_indirect_dma semaphore(%arg8 : memref<!tpu.dma_semaphore, #tpu.memory_space<semaphore_mem>>) src(%dma_wait3A_10 : memref<8192x256xf32, #tpu.memory_space<hbm>>) dst(%arg6 : memref<128x256xf32, #tpu.memory_space<vmem>>)
    %dma_start3A_11 = arith.constant 128 : i32
    %dma_start3A_12 = tpu.memref_slice %arg5[%dma_start3A_11] : memref<1024xi32, #tpu.memory_space<vmem>> -> memref<128xi32, #tpu.memory_space<vmem>>
    %dma_start3A_13 = arith.constant 0 : i32
    %dma_start3A_14 = arith.constant 0 : i32
    %dma_start3A_15 = tpu.memref_slice %arg3[%dma_start3A_13, %dma_start3A_14] : memref<8192x256xf32, #tpu.memory_space<hbm>> -> memref<8192x256xf32, #tpu.memory_space<hbm>>
    tpu.enqueue_indirect_dma source(%dma_start3A_15 : memref<8192x256xf32, #tpu.memory_space<hbm>>) target(%arg7 : memref<128x256xf32, #tpu.memory_space<vmem>>) offsets(%dma_start3A_12 : memref<128xi32, #tpu.memory_space<vmem>>) semaphore(%arg9 : memref<!tpu.dma_semaphore, #tpu.memory_space<semaphore_mem>>)
    %add3A_16 = arith.constant 0 : i32
    %add3A_17 = arith.addi %mul3A_2, %add3A_16 : i32
    %dma_start3A_18 = arith.constant 0 : i32
    %dma_start3A_19 = tpu.memref_slice %arg4[%add3A_17, %dma_start3A_18] : memref<32768x256xf32, #tpu.memory_space<hbm>> -> memref<128x256xf32, #tpu.memory_space<hbm>>
    %dma_start3A_20 = arith.constant 0 : i32
    %dma_start3A_21 = tpu.memref_slice %arg4[%add3A_17, %dma_start3A_20] : memref<32768x256xf32, #tpu.memory_space<hbm>> -> memref<128x256xf32, #tpu.memory_space<hbm>>
    tpu.enqueue_dma source(%arg6 : memref<128x256xf32, #tpu.memory_space<vmem>>) target(%dma_start3A_21 : memref<128x256xf32, #tpu.memory_space<hbm>>) target_semaphore(%arg10 : memref<!tpu.dma_semaphore, #tpu.memory_space<semaphore_mem>>)
    %dma_wait3A_22 = arith.constant 128 : i32
    %dma_wait3A_23 = tpu.memref_slice %arg5[%dma_wait3A_22] : memref<1024xi32, #tpu.memory_space<vmem>> -> memref<128xi32, #tpu.memory_space<vmem>>
    %dma_wait3A_24 = arith.constant 0 : i32
    %dma_wait3A_25 = arith.constant 0 : i32
    %dma_wait3A_26 = tpu.memref_slice %arg3[%dma_wait3A_24, %dma_wait3A_25] : memref<8192x256xf32, #tpu.memory_space<hbm>> -> memref<8192x256xf32, #tpu.memory_space<hbm>>
    tpu.wait_indirect_dma semaphore(%arg9 : memref<!tpu.dma_semaphore, #tpu.memory_space<semaphore_mem>>) src(%dma_wait3A_26 : memref<8192x256xf32, #tpu.memory_space<hbm>>) dst(%arg7 : memref<128x256xf32, #tpu.memory_space<vmem>>)
    %add3A_27 = arith.constant 0 : i32
    %add3A_28 = arith.addi %mul3A_2, %add3A_27 : i32
    %dma_wait3A_29 = arith.constant 0 : i32
    %dma_wait3A_30 = tpu.memref_slice %arg4[%add3A_28, %dma_wait3A_29] : memref<32768x256xf32, #tpu.memory_space<hbm>> -> memref<128x256xf32, #tpu.memory_space<hbm>>
    %dma_wait3A_31 = arith.constant 0 : i32
    %dma_wait3A_32 = tpu.memref_slice %arg4[%add3A_28, %dma_wait3A_31] : memref<32768x256xf32, #tpu.memory_space<hbm>> -> memref<128x256xf32, #tpu.memory_space<hbm>>
    tpu.wait_dma2 semaphore(%arg10 : memref<!tpu.dma_semaphore, #tpu.memory_space<semaphore_mem>>) src(%arg6 : memref<128x256xf32, #tpu.memory_space<vmem>>) dst(%dma_wait3A_32 : memref<128x256xf32, #tpu.memory_space<hbm>>)
    %dma_start3A_33 = arith.constant 256 : i32
    %dma_start3A_34 = tpu.memref_slice %arg5[%dma_start3A_33] : memref<1024xi32, #tpu.memory_space<vmem>> -> memref<128xi32, #tpu.memory_space<vmem>>
    %dma_start3A_35 = arith.constant 0 : i32
    %dma_start3A_36 = arith.constant 0 : i32
    %dma_start3A_37 = tpu.memref_slice %arg3[%dma_start3A_35, %dma_start3A_36] : memref<8192x256xf32, #tpu.memory_space<hbm>> -> memref<8192x256xf32, #tpu.memory_space<hbm>>
    tpu.enqueue_indirect_dma source(%dma_start3A_37 : memref<8192x256xf32, #tpu.memory_space<hbm>>) target(%arg6 : memref<128x256xf32, #tpu.memory_space<vmem>>) offsets(%dma_start3A_34 : memref<128xi32, #tpu.memory_space<vmem>>) semaphore(%arg8 : memref<!tpu.dma_semaphore, #tpu.memory_space<semaphore_mem>>)
    %add3A_38 = arith.constant 128 : i32
    %add3A_39 = arith.addi %mul3A_2, %add3A_38 : i32
    %dma_start3A_40 = arith.constant 0 : i32
    %dma_start3A_41 = tpu.memref_slice %arg4[%add3A_39, %dma_start3A_40] : memref<32768x256xf32, #tpu.memory_space<hbm>> -> memref<128x256xf32, #tpu.memory_space<hbm>>
    %dma_start3A_42 = arith.constant 0 : i32
    %dma_start3A_43 = tpu.memref_slice %arg4[%add3A_39, %dma_start3A_42] : memref<32768x256xf32, #tpu.memory_space<hbm>> -> memref<128x256xf32, #tpu.memory_space<hbm>>
    tpu.enqueue_dma source(%arg7 : memref<128x256xf32, #tpu.memory_space<vmem>>) target(%dma_start3A_43 : memref<128x256xf32, #tpu.memory_space<hbm>>) target_semaphore(%arg11 : memref<!tpu.dma_semaphore, #tpu.memory_space<semaphore_mem>>)
    %dma_wait3A_44 = arith.constant 256 : i32
    %dma_wait3A_45 = tpu.memref_slice %arg5[%dma_wait3A_44] : memref<1024xi32, #tpu.memory_space<vmem>> -> memref<128xi32, #tpu.memory_space<vmem>>
    %dma_wait3A_46 = arith.constant 0 : i32
    %dma_wait3A_47 = arith.constant 0 : i32
    %dma_wait3A_48 = tpu.memref_slice %arg3[%dma_wait3A_46, %dma_wait3A_47] : memref<8192x256xf32, #tpu.memory_space<hbm>> -> memref<8192x256xf32, #tpu.memory_space<hbm>>
    tpu.wait_indirect_dma semaphore(%arg8 : memref<!tpu.dma_semaphore, #tpu.memory_space<semaphore_mem>>) src(%dma_wait3A_48 : memref<8192x256xf32, #tpu.memory_space<hbm>>) dst(%arg6 : memref<128x256xf32, #tpu.memory_space<vmem>>)
    %add3A_49 = arith.constant 128 : i32
    %add3A_50 = arith.addi %mul3A_2, %add3A_49 : i32
    %dma_wait3A_51 = arith.constant 0 : i32
    %dma_wait3A_52 = tpu.memref_slice %arg4[%add3A_50, %dma_wait3A_51] : memref<32768x256xf32, #tpu.memory_space<hbm>> -> memref<128x256xf32, #tpu.memory_space<hbm>>
    %dma_wait3A_53 = arith.constant 0 : i32
    %dma_wait3A_54 = tpu.memref_slice %arg4[%add3A_50, %dma_wait3A_53] : memref<32768x256xf32, #tpu.memory_space<hbm>> -> memref<128x256xf32, #tpu.memory_space<hbm>>
    tpu.wait_dma2 semaphore(%arg11 : memref<!tpu.dma_semaphore, #tpu.memory_space<semaphore_mem>>) src(%arg7 : memref<128x256xf32, #tpu.memory_space<vmem>>) dst(%dma_wait3A_54 : memref<128x256xf32, #tpu.memory_space<hbm>>)
    %dma_start3A_55 = arith.constant 384 : i32
    %dma_start3A_56 = tpu.memref_slice %arg5[%dma_start3A_55] : memref<1024xi32, #tpu.memory_space<vmem>> -> memref<128xi32, #tpu.memory_space<vmem>>
    %dma_start3A_57 = arith.constant 0 : i32
    %dma_start3A_58 = arith.constant 0 : i32
    %dma_start3A_59 = tpu.memref_slice %arg3[%dma_start3A_57, %dma_start3A_58] : memref<8192x256xf32, #tpu.memory_space<hbm>> -> memref<8192x256xf32, #tpu.memory_space<hbm>>
    tpu.enqueue_indirect_dma source(%dma_start3A_59 : memref<8192x256xf32, #tpu.memory_space<hbm>>) target(%arg7 : memref<128x256xf32, #tpu.memory_space<vmem>>) offsets(%dma_start3A_56 : memref<128xi32, #tpu.memory_space<vmem>>) semaphore(%arg9 : memref<!tpu.dma_semaphore, #tpu.memory_space<semaphore_mem>>)
    %add3A_60 = arith.constant 256 : i32
    %add3A_61 = arith.addi %mul3A_2, %add3A_60 : i32
    %dma_start3A_62 = arith.constant 0 : i32
    %dma_start3A_63 = tpu.memref_slice %arg4[%add3A_61, %dma_start3A_62] : memref<32768x256xf32, #tpu.memory_space<hbm>> -> memref<128x256xf32, #tpu.memory_space<hbm>>
    %dma_start3A_64 = arith.constant 0 : i32
    %dma_start3A_65 = tpu.memref_slice %arg4[%add3A_61, %dma_start3A_64] : memref<32768x256xf32, #tpu.memory_space<hbm>> -> memref<128x256xf32, #tpu.memory_space<hbm>>
    tpu.enqueue_dma source(%arg6 : memref<128x256xf32, #tpu.memory_space<vmem>>) target(%dma_start3A_65 : memref<128x256xf32, #tpu.memory_space<hbm>>) target_semaphore(%arg10 : memref<!tpu.dma_semaphore, #tpu.memory_space<semaphore_mem>>)
    %dma_wait3A_66 = arith.constant 384 : i32
    %dma_wait3A_67 = tpu.memref_slice %arg5[%dma_wait3A_66] : memref<1024xi32, #tpu.memory_space<vmem>> -> memref<128xi32, #tpu.memory_space<vmem>>
    %dma_wait3A_68 = arith.constant 0 : i32
    %dma_wait3A_69 = arith.constant 0 : i32
    %dma_wait3A_70 = tpu.memref_slice %arg3[%dma_wait3A_68, %dma_wait3A_69] : memref<8192x256xf32, #tpu.memory_space<hbm>> -> memref<8192x256xf32, #tpu.memory_space<hbm>>
    tpu.wait_indirect_dma semaphore(%arg9 : memref<!tpu.dma_semaphore, #tpu.memory_space<semaphore_mem>>) src(%dma_wait3A_70 : memref<8192x256xf32, #tpu.memory_space<hbm>>) dst(%arg7 : memref<128x256xf32, #tpu.memory_space<vmem>>)
    %add3A_71 = arith.constant 256 : i32
    %add3A_72 = arith.addi %mul3A_2, %add3A_71 : i32
    %dma_wait3A_73 = arith.constant 0 : i32
    %dma_wait3A_74 = tpu.memref_slice %arg4[%add3A_72, %dma_wait3A_73] : memref<32768x256xf32, #tpu.memory_space<hbm>> -> memref<128x256xf32, #tpu.memory_space<hbm>>
    %dma_wait3A_75 = arith.constant 0 : i32
    %dma_wait3A_76 = tpu.memref_slice %arg4[%add3A_72, %dma_wait3A_75] : memref<32768x256xf32, #tpu.memory_space<hbm>> -> memref<128x256xf32, #tpu.memory_space<hbm>>
    tpu.wait_dma2 semaphore(%arg10 : memref<!tpu.dma_semaphore, #tpu.memory_space<semaphore_mem>>) src(%arg6 : memref<128x256xf32, #tpu.memory_space<vmem>>) dst(%dma_wait3A_76 : memref<128x256xf32, #tpu.memory_space<hbm>>)
    %dma_start3A_77 = arith.constant 512 : i32
    %dma_start3A_78 = tpu.memref_slice %arg5[%dma_start3A_77] : memref<1024xi32, #tpu.memory_space<vmem>> -> memref<128xi32, #tpu.memory_space<vmem>>
    %dma_start3A_79 = arith.constant 0 : i32
    %dma_start3A_80 = arith.constant 0 : i32
    %dma_start3A_81 = tpu.memref_slice %arg3[%dma_start3A_79, %dma_start3A_80] : memref<8192x256xf32, #tpu.memory_space<hbm>> -> memref<8192x256xf32, #tpu.memory_space<hbm>>
    tpu.enqueue_indirect_dma source(%dma_start3A_81 : memref<8192x256xf32, #tpu.memory_space<hbm>>) target(%arg6 : memref<128x256xf32, #tpu.memory_space<vmem>>) offsets(%dma_start3A_78 : memref<128xi32, #tpu.memory_space<vmem>>) semaphore(%arg8 : memref<!tpu.dma_semaphore, #tpu.memory_space<semaphore_mem>>)
    %add3A_82 = arith.constant 384 : i32
    %add3A_83 = arith.addi %mul3A_2, %add3A_82 : i32
    %dma_start3A_84 = arith.constant 0 : i32
    %dma_start3A_85 = tpu.memref_slice %arg4[%add3A_83, %dma_start3A_84] : memref<32768x256xf32, #tpu.memory_space<hbm>> -> memref<128x256xf32, #tpu.memory_space<hbm>>
    %dma_start3A_86 = arith.constant 0 : i32
    %dma_start3A_87 = tpu.memref_slice %arg4[%add3A_83, %dma_start3A_86] : memref<32768x256xf32, #tpu.memory_space<hbm>> -> memref<128x256xf32, #tpu.memory_space<hbm>>
    tpu.enqueue_dma source(%arg7 : memref<128x256xf32, #tpu.memory_space<vmem>>) target(%dma_start3A_87 : memref<128x256xf32, #tpu.memory_space<hbm>>) target_semaphore(%arg11 : memref<!tpu.dma_semaphore, #tpu.memory_space<semaphore_mem>>)
    %dma_wait3A_88 = arith.constant 512 : i32
    %dma_wait3A_89 = tpu.memref_slice %arg5[%dma_wait3A_88] : memref<1024xi32, #tpu.memory_space<vmem>> -> memref<128xi32, #tpu.memory_space<vmem>>
    %dma_wait3A_90 = arith.constant 0 : i32
    %dma_wait3A_91 = arith.constant 0 : i32
    %dma_wait3A_92 = tpu.memref_slice %arg3[%dma_wait3A_90, %dma_wait3A_91] : memref<8192x256xf32, #tpu.memory_space<hbm>> -> memref<8192x256xf32, #tpu.memory_space<hbm>>
    tpu.wait_indirect_dma semaphore(%arg8 : memref<!tpu.dma_semaphore, #tpu.memory_space<semaphore_mem>>) src(%dma_wait3A_92 : memref<8192x256xf32, #tpu.memory_space<hbm>>) dst(%arg6 : memref<128x256xf32, #tpu.memory_space<vmem>>)
    %add3A_93 = arith.constant 384 : i32
    %add3A_94 = arith.addi %mul3A_2, %add3A_93 : i32
    %dma_wait3A_95 = arith.constant 0 : i32
    %dma_wait3A_96 = tpu.memref_slice %arg4[%add3A_94, %dma_wait3A_95] : memref<32768x256xf32, #tpu.memory_space<hbm>> -> memref<128x256xf32, #tpu.memory_space<hbm>>
    %dma_wait3A_97 = arith.constant 0 : i32
    %dma_wait3A_98 = tpu.memref_slice %arg4[%add3A_94, %dma_wait3A_97] : memref<32768x256xf32, #tpu.memory_space<hbm>> -> memref<128x256xf32, #tpu.memory_space<hbm>>
    tpu.wait_dma2 semaphore(%arg11 : memref<!tpu.dma_semaphore, #tpu.memory_space<semaphore_mem>>) src(%arg7 : memref<128x256xf32, #tpu.memory_space<vmem>>) dst(%dma_wait3A_98 : memref<128x256xf32, #tpu.memory_space<hbm>>)
    %dma_start3A_99 = arith.constant 640 : i32
    %dma_start3A_100 = tpu.memref_slice %arg5[%dma_start3A_99] : memref<1024xi32, #tpu.memory_space<vmem>> -> memref<128xi32, #tpu.memory_space<vmem>>
    %dma_start3A_101 = arith.constant 0 : i32
    %dma_start3A_102 = arith.constant 0 : i32
    %dma_start3A_103 = tpu.memref_slice %arg3[%dma_start3A_101, %dma_start3A_102] : memref<8192x256xf32, #tpu.memory_space<hbm>> -> memref<8192x256xf32, #tpu.memory_space<hbm>>
    tpu.enqueue_indirect_dma source(%dma_start3A_103 : memref<8192x256xf32, #tpu.memory_space<hbm>>) target(%arg7 : memref<128x256xf32, #tpu.memory_space<vmem>>) offsets(%dma_start3A_100 : memref<128xi32, #tpu.memory_space<vmem>>) semaphore(%arg9 : memref<!tpu.dma_semaphore, #tpu.memory_space<semaphore_mem>>)
    %add3A_104 = arith.constant 512 : i32
    %add3A_105 = arith.addi %mul3A_2, %add3A_104 : i32
    %dma_start3A_106 = arith.constant 0 : i32
    %dma_start3A_107 = tpu.memref_slice %arg4[%add3A_105, %dma_start3A_106] : memref<32768x256xf32, #tpu.memory_space<hbm>> -> memref<128x256xf32, #tpu.memory_space<hbm>>
    %dma_start3A_108 = arith.constant 0 : i32
    %dma_start3A_109 = tpu.memref_slice %arg4[%add3A_105, %dma_start3A_108] : memref<32768x256xf32, #tpu.memory_space<hbm>> -> memref<128x256xf32, #tpu.memory_space<hbm>>
    tpu.enqueue_dma source(%arg6 : memref<128x256xf32, #tpu.memory_space<vmem>>) target(%dma_start3A_109 : memref<128x256xf32, #tpu.memory_space<hbm>>) target_semaphore(%arg10 : memref<!tpu.dma_semaphore, #tpu.memory_space<semaphore_mem>>)
    %dma_wait3A_110 = arith.constant 640 : i32
    %dma_wait3A_111 = tpu.memref_slice %arg5[%dma_wait3A_110] : memref<1024xi32, #tpu.memory_space<vmem>> -> memref<128xi32, #tpu.memory_space<vmem>>
    %dma_wait3A_112 = arith.constant 0 : i32
    %dma_wait3A_113 = arith.constant 0 : i32
    %dma_wait3A_114 = tpu.memref_slice %arg3[%dma_wait3A_112, %dma_wait3A_113] : memref<8192x256xf32, #tpu.memory_space<hbm>> -> memref<8192x256xf32, #tpu.memory_space<hbm>>
    tpu.wait_indirect_dma semaphore(%arg9 : memref<!tpu.dma_semaphore, #tpu.memory_space<semaphore_mem>>) src(%dma_wait3A_114 : memref<8192x256xf32, #tpu.memory_space<hbm>>) dst(%arg7 : memref<128x256xf32, #tpu.memory_space<vmem>>)
    %add3A_115 = arith.constant 512 : i32
    %add3A_116 = arith.addi %mul3A_2, %add3A_115 : i32
    %dma_wait3A_117 = arith.constant 0 : i32
    %dma_wait3A_118 = tpu.memref_slice %arg4[%add3A_116, %dma_wait3A_117] : memref<32768x256xf32, #tpu.memory_space<hbm>> -> memref<128x256xf32, #tpu.memory_space<hbm>>
    %dma_wait3A_119 = arith.constant 0 : i32
    %dma_wait3A_120 = tpu.memref_slice %arg4[%add3A_116, %dma_wait3A_119] : memref<32768x256xf32, #tpu.memory_space<hbm>> -> memref<128x256xf32, #tpu.memory_space<hbm>>
    tpu.wait_dma2 semaphore(%arg10 : memref<!tpu.dma_semaphore, #tpu.memory_space<semaphore_mem>>) src(%arg6 : memref<128x256xf32, #tpu.memory_space<vmem>>) dst(%dma_wait3A_120 : memref<128x256xf32, #tpu.memory_space<hbm>>)
    %dma_start3A_121 = arith.constant 768 : i32
    %dma_start3A_122 = tpu.memref_slice %arg5[%dma_start3A_121] : memref<1024xi32, #tpu.memory_space<vmem>> -> memref<128xi32, #tpu.memory_space<vmem>>
    %dma_start3A_123 = arith.constant 0 : i32
    %dma_start3A_124 = arith.constant 0 : i32
    %dma_start3A_125 = tpu.memref_slice %arg3[%dma_start3A_123, %dma_start3A_124] : memref<8192x256xf32, #tpu.memory_space<hbm>> -> memref<8192x256xf32, #tpu.memory_space<hbm>>
    tpu.enqueue_indirect_dma source(%dma_start3A_125 : memref<8192x256xf32, #tpu.memory_space<hbm>>) target(%arg6 : memref<128x256xf32, #tpu.memory_space<vmem>>) offsets(%dma_start3A_122 : memref<128xi32, #tpu.memory_space<vmem>>) semaphore(%arg8 : memref<!tpu.dma_semaphore, #tpu.memory_space<semaphore_mem>>)
    %add3A_126 = arith.constant 640 : i32
    %add3A_127 = arith.addi %mul3A_2, %add3A_126 : i32
    %dma_start3A_128 = arith.constant 0 : i32
    %dma_start3A_129 = tpu.memref_slice %arg4[%add3A_127, %dma_start3A_128] : memref<32768x256xf32, #tpu.memory_space<hbm>> -> memref<128x256xf32, #tpu.memory_space<hbm>>
    %dma_start3A_130 = arith.constant 0 : i32
    %dma_start3A_131 = tpu.memref_slice %arg4[%add3A_127, %dma_start3A_130] : memref<32768x256xf32, #tpu.memory_space<hbm>> -> memref<128x256xf32, #tpu.memory_space<hbm>>
    tpu.enqueue_dma source(%arg7 : memref<128x256xf32, #tpu.memory_space<vmem>>) target(%dma_start3A_131 : memref<128x256xf32, #tpu.memory_space<hbm>>) target_semaphore(%arg11 : memref<!tpu.dma_semaphore, #tpu.memory_space<semaphore_mem>>)
    %dma_wait3A_132 = arith.constant 768 : i32
    %dma_wait3A_133 = tpu.memref_slice %arg5[%dma_wait3A_132] : memref<1024xi32, #tpu.memory_space<vmem>> -> memref<128xi32, #tpu.memory_space<vmem>>
    %dma_wait3A_134 = arith.constant 0 : i32
    %dma_wait3A_135 = arith.constant 0 : i32
    %dma_wait3A_136 = tpu.memref_slice %arg3[%dma_wait3A_134, %dma_wait3A_135] : memref<8192x256xf32, #tpu.memory_space<hbm>> -> memref<8192x256xf32, #tpu.memory_space<hbm>>
    tpu.wait_indirect_dma semaphore(%arg8 : memref<!tpu.dma_semaphore, #tpu.memory_space<semaphore_mem>>) src(%dma_wait3A_136 : memref<8192x256xf32, #tpu.memory_space<hbm>>) dst(%arg6 : memref<128x256xf32, #tpu.memory_space<vmem>>)
    %add3A_137 = arith.constant 640 : i32
    %add3A_138 = arith.addi %mul3A_2, %add3A_137 : i32
    %dma_wait3A_139 = arith.constant 0 : i32
    %dma_wait3A_140 = tpu.memref_slice %arg4[%add3A_138, %dma_wait3A_139] : memref<32768x256xf32, #tpu.memory_space<hbm>> -> memref<128x256xf32, #tpu.memory_space<hbm>>
    %dma_wait3A_141 = arith.constant 0 : i32
    %dma_wait3A_142 = tpu.memref_slice %arg4[%add3A_138, %dma_wait3A_141] : memref<32768x256xf32, #tpu.memory_space<hbm>> -> memref<128x256xf32, #tpu.memory_space<hbm>>
    tpu.wait_dma2 semaphore(%arg11 : memref<!tpu.dma_semaphore, #tpu.memory_space<semaphore_mem>>) src(%arg7 : memref<128x256xf32, #tpu.memory_space<vmem>>) dst(%dma_wait3A_142 : memref<128x256xf32, #tpu.memory_space<hbm>>)
    %dma_start3A_143 = arith.constant 896 : i32
    %dma_start3A_144 = tpu.memref_slice %arg5[%dma_start3A_143] : memref<1024xi32, #tpu.memory_space<vmem>> -> memref<128xi32, #tpu.memory_space<vmem>>
    %dma_start3A_145 = arith.constant 0 : i32
    %dma_start3A_146 = arith.constant 0 : i32
    %dma_start3A_147 = tpu.memref_slice %arg3[%dma_start3A_145, %dma_start3A_146] : memref<8192x256xf32, #tpu.memory_space<hbm>> -> memref<8192x256xf32, #tpu.memory_space<hbm>>
    tpu.enqueue_indirect_dma source(%dma_start3A_147 : memref<8192x256xf32, #tpu.memory_space<hbm>>) target(%arg7 : memref<128x256xf32, #tpu.memory_space<vmem>>) offsets(%dma_start3A_144 : memref<128xi32, #tpu.memory_space<vmem>>) semaphore(%arg9 : memref<!tpu.dma_semaphore, #tpu.memory_space<semaphore_mem>>)
    %add3A_148 = arith.constant 768 : i32
    %add3A_149 = arith.addi %mul3A_2, %add3A_148 : i32
    %dma_start3A_150 = arith.constant 0 : i32
    %dma_start3A_151 = tpu.memref_slice %arg4[%add3A_149, %dma_start3A_150] : memref<32768x256xf32, #tpu.memory_space<hbm>> -> memref<128x256xf32, #tpu.memory_space<hbm>>
    %dma_start3A_152 = arith.constant 0 : i32
    %dma_start3A_153 = tpu.memref_slice %arg4[%add3A_149, %dma_start3A_152] : memref<32768x256xf32, #tpu.memory_space<hbm>> -> memref<128x256xf32, #tpu.memory_space<hbm>>
    tpu.enqueue_dma source(%arg6 : memref<128x256xf32, #tpu.memory_space<vmem>>) target(%dma_start3A_153 : memref<128x256xf32, #tpu.memory_space<hbm>>) target_semaphore(%arg10 : memref<!tpu.dma_semaphore, #tpu.memory_space<semaphore_mem>>)
    %dma_wait3A_154 = arith.constant 896 : i32
    %dma_wait3A_155 = tpu.memref_slice %arg5[%dma_wait3A_154] : memref<1024xi32, #tpu.memory_space<vmem>> -> memref<128xi32, #tpu.memory_space<vmem>>
    %dma_wait3A_156 = arith.constant 0 : i32
    %dma_wait3A_157 = arith.constant 0 : i32
    %dma_wait3A_158 = tpu.memref_slice %arg3[%dma_wait3A_156, %dma_wait3A_157] : memref<8192x256xf32, #tpu.memory_space<hbm>> -> memref<8192x256xf32, #tpu.memory_space<hbm>>
    tpu.wait_indirect_dma semaphore(%arg9 : memref<!tpu.dma_semaphore, #tpu.memory_space<semaphore_mem>>) src(%dma_wait3A_158 : memref<8192x256xf32, #tpu.memory_space<hbm>>) dst(%arg7 : memref<128x256xf32, #tpu.memory_space<vmem>>)
    %add3A_159 = arith.constant 896 : i32
    %add3A_160 = arith.addi %mul3A_2, %add3A_159 : i32
    %dma_start3A_161 = arith.constant 0 : i32
    %dma_start3A_162 = tpu.memref_slice %arg4[%add3A_160, %dma_start3A_161] : memref<32768x256xf32, #tpu.memory_space<hbm>> -> memref<128x256xf32, #tpu.memory_space<hbm>>
    %dma_start3A_163 = arith.constant 0 : i32
    %dma_start3A_164 = tpu.memref_slice %arg4[%add3A_160, %dma_start3A_163] : memref<32768x256xf32, #tpu.memory_space<hbm>> -> memref<128x256xf32, #tpu.memory_space<hbm>>
    tpu.enqueue_dma source(%arg7 : memref<128x256xf32, #tpu.memory_space<vmem>>) target(%dma_start3A_164 : memref<128x256xf32, #tpu.memory_space<hbm>>) target_semaphore(%arg11 : memref<!tpu.dma_semaphore, #tpu.memory_space<semaphore_mem>>)
    %add3A_165 = arith.constant 768 : i32
    %add3A_166 = arith.addi %mul3A_2, %add3A_165 : i32
    %dma_wait3A_167 = arith.constant 0 : i32
    %dma_wait3A_168 = tpu.memref_slice %arg4[%add3A_166, %dma_wait3A_167] : memref<32768x256xf32, #tpu.memory_space<hbm>> -> memref<128x256xf32, #tpu.memory_space<hbm>>
    %dma_wait3A_169 = arith.constant 0 : i32
    %dma_wait3A_170 = tpu.memref_slice %arg4[%add3A_166, %dma_wait3A_169] : memref<32768x256xf32, #tpu.memory_space<hbm>> -> memref<128x256xf32, #tpu.memory_space<hbm>>
    tpu.wait_dma2 semaphore(%arg10 : memref<!tpu.dma_semaphore, #tpu.memory_space<semaphore_mem>>) src(%arg6 : memref<128x256xf32, #tpu.memory_space<vmem>>) dst(%dma_wait3A_170 : memref<128x256xf32, #tpu.memory_space<hbm>>)
    %add3A_171 = arith.constant 896 : i32
    %add3A_172 = arith.addi %mul3A_2, %add3A_171 : i32
    %dma_wait3A_173 = arith.constant 0 : i32
    %dma_wait3A_174 = tpu.memref_slice %arg4[%add3A_172, %dma_wait3A_173] : memref<32768x256xf32, #tpu.memory_space<hbm>> -> memref<128x256xf32, #tpu.memory_space<hbm>>
    %dma_wait3A_175 = arith.constant 0 : i32
    %dma_wait3A_176 = tpu.memref_slice %arg4[%add3A_172, %dma_wait3A_175] : memref<32768x256xf32, #tpu.memory_space<hbm>> -> memref<128x256xf32, #tpu.memory_space<hbm>>
    tpu.wait_dma2 semaphore(%arg11 : memref<!tpu.dma_semaphore, #tpu.memory_space<semaphore_mem>>) src(%arg7 : memref<128x256xf32, #tpu.memory_space<vmem>>) dst(%dma_wait3A_176 : memref<128x256xf32, #tpu.memory_space<hbm>>)
    return
  }
}

module attributes {stable_mosaic.version = 14 : i64} {
  func.func @_vq_body(%arg0: i32, %arg1: memref<256x256xf32, #tpu.memory_space<vmem>>, %arg2: memref<8192x256xf32, #tpu.memory_space<vmem>>, %arg3: memref<1x1x256xi32, #tpu.memory_space<vmem>>, %arg4: memref<256x8192xf32, #tpu.memory_space<vmem>>, %arg5: memref<1x8192xf32, #tpu.memory_space<vmem>>, %arg6: memref<1x128xf32, #tpu.memory_space<vmem>>, %arg7: memref<1x8192xf32, #tpu.memory_space<vmem>>, %arg8: memref<1x8192xf32, #tpu.memory_space<vmem>>, %arg9: memref<1x128xf32, #tpu.memory_space<vmem>>) attributes {dimension_semantics = [#tpu.dimension_semantics<arbitrary>], iteration_bounds = array<i64: 128>, scalar_prefetch = 0 : i64, scratch_operands = 3 : i64, tpu.core_type = #tpu.core_type<tc>, window_params = [{transform_indices = @transform_0, window_bounds = array<i64: 256, 256>}, {pipeline_mode = #tpu.pipeline_mode<synchronous>, transform_indices = @transform_1, window_bounds = array<i64: 8192, 256>}, {transform_indices = @transform_2, window_bounds = array<i64: 1, 1, 256>}, {transform_indices = @transform_3, window_bounds = array<i64: 256, 8192>}, {pipeline_mode = #tpu.pipeline_mode<synchronous>, transform_indices = @transform_4, window_bounds = array<i64: 1, 8192>}, {pipeline_mode = #tpu.pipeline_mode<synchronous>, transform_indices = @transform_5, window_bounds = array<i64: 1, 128>}]} {
    %eq3A = arith.constant 0 : i32
    %eq3A_0 = arith.cmpi eq, %arg0, %eq3A : i32
    %convert_element_type3A = arith.extui %eq3A_0 : i1 to i32
    %cond3A = arith.constant 0 : i32
    %cond3A_1 = arith.cmpi ne, %convert_element_type3A, %cond3A : i32
    scf.if %cond3A_1 {
      %get3A_58 = arith.constant 0 : index
      %get3A_59 = arith.constant 0 : index
      %get3A_60 = vector.load %arg2[%get3A_58, %get3A_59] : memref<8192x256xf32, #tpu.memory_space<vmem>>, vector<8192x256xf32>
      %mul3A_61 = arith.mulf %get3A_60, %get3A_60 : vector<8192x256xf32>
      %reduce_sum3A_62 = arith.constant dense<0.000000e+00> : vector<8192xf32>
      %reduce_sum3A_63 = vector.multi_reduction <add>, %mul3A_61, %reduce_sum3A_62 [1] : vector<8192x256xf32> to vector<8192xf32>
      %reshape3A_64 = vector.shape_cast %reduce_sum3A_63 : vector<8192xf32> to vector<1x8192xf32>
      %swap3A_65 = arith.constant 0 : index
      %swap3A_66 = arith.constant 0 : index
      %swap3A_67 = vector.load %arg7[%swap3A_65, %swap3A_66] : memref<1x8192xf32, #tpu.memory_space<vmem>>, vector<1x8192xf32>
      tpu.vector_store %arg7[%swap3A_65, %swap3A_66], %reshape3A_64 {strides = array<i32>} : memref<1x8192xf32, #tpu.memory_space<vmem>>, vector<1x8192xf32>,
    } else {
    }
    %get3A = arith.constant 0 : index
    %get3A_2 = arith.constant 0 : index
    %get3A_3 = vector.load %arg1[%get3A, %get3A_2] : memref<256x256xf32, #tpu.memory_space<vmem>>, vector<256x256xf32>
    %mul3A = arith.mulf %get3A_3, %get3A_3 : vector<256x256xf32>
    %reduce_sum3A = arith.constant dense<0.000000e+00> : vector<256xf32>
    %reduce_sum3A_4 = vector.multi_reduction <add>, %mul3A, %reduce_sum3A [1] : vector<256x256xf32> to vector<256xf32>
    %broadcast_in_dim3A = vector.shape_cast %reduce_sum3A_4 : vector<256xf32> to vector<256x1xf32>
    %get3A_5 = arith.constant 0 : index
    %get3A_6 = arith.constant 0 : index
    %get3A_7 = vector.load %arg7[%get3A_5, %get3A_6] : memref<1x8192xf32, #tpu.memory_space<vmem>>, vector<1x8192xf32>
    %get3A_8 = arith.constant 0 : index
    %get3A_9 = arith.constant 0 : index
    %get3A_10 = vector.load %arg2[%get3A_8, %get3A_9] : memref<8192x256xf32, #tpu.memory_space<vmem>>, vector<8192x256xf32>
    %dot_general3A = arith.constant dense<0.000000e+00> : vector<256x8192xf32>
    %dot_general3A_11 = tpu.matmul %get3A_3, %get3A_10, %dot_general3A {dimension_numbers = #tpu.dot_dimension_numbers<[1], [1], [0], [0], [0, 0, 1, 0], [], []>, transpose_lhs_hint = false} : vector<256x256xf32>, vector<8192x256xf32>, vector<256x8192xf32> -> vector<256x8192xf32>
    %add3A = vector.broadcast %broadcast_in_dim3A : vector<256x1xf32> to vector<256x8192xf32>
    %add3A_12 = vector.broadcast %get3A_7 : vector<1x8192xf32> to vector<256x8192xf32>
    %add3A_13 = arith.addf %add3A, %add3A_12 : vector<256x8192xf32>
    %mul3A_14 = arith.constant 2.000000e+00 : f32
    %mul3A_15 = vector.broadcast %mul3A_14 : f32 to vector<256x8192xf32>
    %mul3A_16 = arith.mulf %mul3A_15, %dot_general3A_11 : vector<256x8192xf32>
    %sub3A = arith.subf %add3A_13, %mul3A_16 : vector<256x8192xf32>
    %reduce_min3A = arith.constant dense<0x7F800000> : vector<256xf32>
    %reduce_min3A_17 = vector.multi_reduction <minimumf>, %sub3A, %reduce_min3A [1] : vector<256x8192xf32> to vector<256xf32>
    %broadcast_in_dim3A_18 = vector.shape_cast %reduce_min3A_17 : vector<256xf32> to vector<256x1xf32>
    %iota3A = tpu.iota {dimensions = array<i32: 1>} : vector<256x8192xi32>
    %eq3A_19 = vector.broadcast %broadcast_in_dim3A_18 : vector<256x1xf32> to vector<256x8192xf32>
    %eq3A_20 = arith.cmpf oeq, %sub3A, %eq3A_19 : vector<256x8192xf32>
    %jit3A = arith.constant 8192 : i32
    %broadcast_in_dim3A_21 = vector.broadcast %jit3A : i32 to vector<256x8192xi32>
    %select_n3A = arith.select %eq3A_20, %iota3A, %broadcast_in_dim3A_21 : vector<256x8192xi1>, vector<256x8192xi32>
    %reduce_min3A_22 = arith.constant dense<2147483647> : vector<256xi32>
    %reduce_min3A_23 = vector.multi_reduction <minsi>, %select_n3A, %reduce_min3A_22 [1] : vector<256x8192xi32> to vector<256xi32>
    %swap3A = arith.constant 0 : index
    %swap3A_24 = arith.constant 0 : index
    %swap3A_25 = arith.constant 0 : index
    %swap3A_26 = vector.load %arg3[%swap3A, %swap3A_24, %swap3A_25] : memref<1x1x256xi32, #tpu.memory_space<vmem>>, vector<1x1x256xi32>
    %swap3A_27 = vector.shape_cast %swap3A_26 : vector<1x1x256xi32> to vector<256xi32>
    %swap3A_28 = vector.shape_cast %reduce_min3A_23 : vector<256xi32> to vector<1x1x256xi32>
    tpu.vector_store %arg3[%swap3A, %swap3A_24, %swap3A_25], %swap3A_28 {strides = array<i32>} : memref<1x1x256xi32, #tpu.memory_space<vmem>>, vector<1x1x256xi32>,
    %broadcast_in_dim3A_29 = vector.shape_cast %reduce_min3A_23 : vector<256xi32> to vector<256x1xi32>
    %eq3A_30 = vector.broadcast %broadcast_in_dim3A_29 : vector<256x1xi32> to vector<256x8192xi32>
    %eq3A_31 = arith.cmpi eq, %iota3A, %eq3A_30 : vector<256x8192xi32>
    %convert_element_type3A_32 = arith.extui %eq3A_31 : vector<256x8192xi1> to vector<256x8192xi32>
    %convert_element_type3A_33 = arith.sitofp %convert_element_type3A_32 : vector<256x8192xi32> to vector<256x8192xf32>
    %swap3A_34 = arith.constant 0 : index
    %swap3A_35 = arith.constant 0 : index
    %swap3A_36 = vector.load %arg4[%swap3A_34, %swap3A_35] : memref<256x8192xf32, #tpu.memory_space<vmem>>, vector<256x8192xf32>
    tpu.vector_store %arg4[%swap3A_34, %swap3A_35], %convert_element_type3A_33 {strides = array<i32>} : memref<256x8192xf32, #tpu.memory_space<vmem>>, vector<256x8192xf32>,
    %broadcast_in_dim3A_37 = arith.constant 1.000000e+00 : f32
    %broadcast_in_dim3A_38 = vector.broadcast %broadcast_in_dim3A_37 : f32 to vector<1x256xf32>
    %dot_general3A_39 = arith.constant dense<0.000000e+00> : vector<1x8192xf32>
    %dot_general3A_40 = tpu.matmul %broadcast_in_dim3A_38, %convert_element_type3A_33, %dot_general3A_39 {dimension_numbers = #tpu.dot_dimension_numbers<[1], [0], [0], [1], [0, 0, 1, 1], [], []>, transpose_lhs_hint = false} : vector<1x256xf32>, vector<256x8192xf32>, vector<1x8192xf32> -> vector<1x8192xf32>
    %reshape3A = vector.shape_cast %broadcast_in_dim3A_18 : vector<256x1xf32> to vector<2x128xf32>
    %reduce_sum3A_41 = arith.constant dense<0.000000e+00> : vector<128xf32>
    %reduce_sum3A_42 = vector.multi_reduction <add>, %reshape3A, %reduce_sum3A_41 [0] : vector<2x128xf32> to vector<128xf32>
    %broadcast_in_dim3A_43 = vector.shape_cast %reduce_sum3A_42 : vector<128xf32> to vector<1x128xf32>
    %eq3A_44 = arith.constant 0 : i32
    %eq3A_45 = arith.cmpi eq, %arg0, %eq3A_44 : i32
    %convert_element_type3A_46 = arith.extui %eq3A_45 : i1 to i32
    %cond3A_47 = arith.constant 0 : i32
    %cond3A_48 = arith.cmpi ne, %convert_element_type3A_46, %cond3A_47 : i32
    scf.if %cond3A_48 {
      %swap3A_58 = arith.constant 0 : index
      %swap3A_59 = arith.constant 0 : index
      %swap3A_60 = vector.load %arg8[%swap3A_58, %swap3A_59] : memref<1x8192xf32, #tpu.memory_space<vmem>>, vector<1x8192xf32>
      tpu.vector_store %arg8[%swap3A_58, %swap3A_59], %dot_general3A_40 {strides = array<i32>} : memref<1x8192xf32, #tpu.memory_space<vmem>>, vector<1x8192xf32>,
      %swap3A_61 = arith.constant 0 : index
      %swap3A_62 = arith.constant 0 : index
      %swap3A_63 = vector.load %arg9[%swap3A_61, %swap3A_62] : memref<1x128xf32, #tpu.memory_space<vmem>>, vector<1x128xf32>
      tpu.vector_store %arg9[%swap3A_61, %swap3A_62], %broadcast_in_dim3A_43 {strides = array<i32>} : memref<1x128xf32, #tpu.memory_space<vmem>>, vector<1x128xf32>,
    } else {
    }
    %gt3A = arith.constant 0 : i32
    %gt3A_49 = arith.cmpi sgt, %arg0, %gt3A : i32
    %convert_element_type3A_50 = arith.extui %gt3A_49 : i1 to i32
    %cond3A_51 = arith.constant 0 : i32
    %cond3A_52 = arith.cmpi ne, %convert_element_type3A_50, %cond3A_51 : i32
    scf.if %cond3A_52 {
      %get3A_58 = arith.constant 0 : index
      %get3A_59 = arith.constant 0 : index
      %get3A_60 = vector.load %arg8[%get3A_58, %get3A_59] : memref<1x8192xf32, #tpu.memory_space<vmem>>, vector<1x8192xf32>
      %add3A_61 = arith.addf %get3A_60, %dot_general3A_40 : vector<1x8192xf32>
      %swap3A_62 = arith.constant 0 : index
      %swap3A_63 = arith.constant 0 : index
      %swap3A_64 = vector.load %arg8[%swap3A_62, %swap3A_63] : memref<1x8192xf32, #tpu.memory_space<vmem>>, vector<1x8192xf32>
      tpu.vector_store %arg8[%swap3A_62, %swap3A_63], %add3A_61 {strides = array<i32>} : memref<1x8192xf32, #tpu.memory_space<vmem>>, vector<1x8192xf32>,
      %get3A_65 = arith.constant 0 : index
      %get3A_66 = arith.constant 0 : index
      %get3A_67 = vector.load %arg9[%get3A_65, %get3A_66] : memref<1x128xf32, #tpu.memory_space<vmem>>, vector<1x128xf32>
      %add3A_68 = arith.addf %get3A_67, %broadcast_in_dim3A_43 : vector<1x128xf32>
      %swap3A_69 = arith.constant 0 : index
      %swap3A_70 = arith.constant 0 : index
      %swap3A_71 = vector.load %arg9[%swap3A_69, %swap3A_70] : memref<1x128xf32, #tpu.memory_space<vmem>>, vector<1x128xf32>
      tpu.vector_store %arg9[%swap3A_69, %swap3A_70], %add3A_68 {strides = array<i32>} : memref<1x128xf32, #tpu.memory_space<vmem>>, vector<1x128xf32>,
    } else {
    }
    %eq3A_53 = arith.constant 127 : i32
    %eq3A_54 = arith.cmpi eq, %arg0, %eq3A_53 : i32
    %convert_element_type3A_55 = arith.extui %eq3A_54 : i1 to i32
    %cond3A_56 = arith.constant 0 : i32
    %cond3A_57 = arith.cmpi ne, %convert_element_type3A_55, %cond3A_56 : i32
    scf.if %cond3A_57 {
      %get3A_58 = arith.constant 0 : index
      %get3A_59 = arith.constant 0 : index
      %get3A_60 = vector.load %arg8[%get3A_58, %get3A_59] : memref<1x8192xf32, #tpu.memory_space<vmem>>, vector<1x8192xf32>
      %swap3A_61 = arith.constant 0 : index
      %swap3A_62 = arith.constant 0 : index
      %swap3A_63 = vector.load %arg5[%swap3A_61, %swap3A_62] : memref<1x8192xf32, #tpu.memory_space<vmem>>, vector<1x8192xf32>
      tpu.vector_store %arg5[%swap3A_61, %swap3A_62], %get3A_60 {strides = array<i32>} : memref<1x8192xf32, #tpu.memory_space<vmem>>, vector<1x8192xf32>,
      %get3A_64 = arith.constant 0 : index
      %get3A_65 = arith.constant 0 : index
      %get3A_66 = vector.load %arg9[%get3A_64, %get3A_65] : memref<1x128xf32, #tpu.memory_space<vmem>>, vector<1x128xf32>
      %swap3A_67 = arith.constant 0 : index
      %swap3A_68 = arith.constant 0 : index
      %swap3A_69 = vector.load %arg6[%swap3A_67, %swap3A_68] : memref<1x128xf32, #tpu.memory_space<vmem>>, vector<1x128xf32>
      tpu.vector_store %arg6[%swap3A_67, %swap3A_68], %get3A_66 {strides = array<i32>} : memref<1x128xf32, #tpu.memory_space<vmem>>, vector<1x128xf32>,
    } else {
    }
    return
  }
  func.func @transform_0(%arg0: i32) -> (i32, i32) {
    %c0_i32 = arith.constant 0 : i32
    %c0_i32_0 = arith.constant 0 : i32
    return %arg0, %c0_i32 : i32, i32
  }
  func.func @transform_1(%arg0: i32) -> (i32, i32) {
    %c0_i32 = arith.constant 0 : i32
    %c0_i32_0 = arith.constant 0 : i32
    %c0_i32_1 = arith.constant 0 : i32
    return %c0_i32, %c0_i32_0 : i32, i32
  }
  func.func @transform_2(%arg0: i32) -> (i32, i32, i32) {
    %c0_i32 = arith.constant 0 : i32
    %c0_i32_0 = arith.constant 0 : i32
    %c0_i32_1 = arith.constant 0 : i32
    return %arg0, %c0_i32, %c0_i32_0 : i32, i32, i32
  }
  func.func @transform_3(%arg0: i32) -> (i32, i32) {
    %c0_i32 = arith.constant 0 : i32
    %c0_i32_0 = arith.constant 0 : i32
    return %arg0, %c0_i32 : i32, i32
  }
  func.func @transform_4(%arg0: i32) -> (i32, i32) {
    %c0_i32 = arith.constant 0 : i32
    %c0_i32_0 = arith.constant 0 : i32
    %c0_i32_1 = arith.constant 0 : i32
    return %c0_i32, %c0_i32_0 : i32, i32
  }
  func.func @transform_5(%arg0: i32) -> (i32, i32) {
    %c0_i32 = arith.constant 0 : i32
    %c0_i32_0 = arith.constant 0 : i32
    %c0_i32_1 = arith.constant 0 : i32
    return %c0_i32, %c0_i32_0 : i32, i32
  }
}

</mosaic_0001>

<sc_bundles>
// kernel: kernel.4.cloned.1.call-start
scs
__scs_entry_jumppad:
0x0: {  	(pc) =	sbr.rel $0x88, $3  }
0x1: {  	(tag) =	ssettag $0x0;
	lr =	simm.s32 $0x1  }
0x2: {  	[smem:$0x3F9F] =	sst lr;
	_ =	strace $0xD0000000  }
0x3: {  	_ = 	snop  }
0x4: {  	_ = 	snop  }
0x5: {  	_ = 	snop  }
0x6: {  	_ = 	snop  }
0x7: {  	_ = 	snop  }
__scs_overlays_trampoline_lowered:
0x8: {  	[smem:$0x3FAE] =	sst s0  }
0x9: {  	[smem:$0x3FAF] =	sst s1  }
0xa: {  	[smem:$0x3FB0] =	sst s2  }
0xb: {  	[smem:$0x3FB1] =	sst s3  }
0xc: {  	[smem:$0x3FB2] =	sst s4  }
0xd: {  	[smem:$0x3FB3] =	sst s5  }
0xe: {  	[smem:$0x3FB4] =	sst s6  }
0xf: {  	[smem:$0x3FB5] =	sst s7  }
0x10: {  	[smem:$0x3FB6] =	sst s8  }
0x11: {  	[smem:$0x3FB7] =	sst s9;
	s0 =	simm.s32 @!p0 $0x0  }
0x12: {  	s1 =	sld [smem:$0x3F9D];
	s0 =	simm.s32 @p0 $0x1  }
0x13: {  	[smem:$0x3FB8] =	sst s0;
	s0 =	simm.s32 @!p1 $0x0  }
0x14: {  	s2 =	sld [smem:$0x3F9C];
	s0 =	simm.s32 @p1 $0x1  }
0x15: {  	[smem:$0x3FB9] =	sst s0;
	s0 =	simm.s32 @!p2 $0x0  }
0x16: {  	s3 =	sld [smem:$0x3FDB];
	s0 =	simm.s32 @p2 $0x1  }
0x17: {  	s4 =	simm.s32 $0x1BF5;
	[smem:$0x3FBB] =	sst s0  }
0x18: {  	s0 =	sld [smem:$0x3F9E];
	_ =	swait.ge [sflag:s4], $0x0  }
0x19: {  	s7 =	sld [smem:$0x3F9F]  }
0x1a: {  	s8 =	sadd.s32 $0xFFFFE003, lr  }
0x1b: {  	s9 =	sadd.s32 $0xFFFFFEF7, lr;
	s5 =	simm.s32 $0xFFFFFFFF;
	p2 =	slt.u32 s8, $0xFFFFF086  }
0x1c: {  	p1 =	slt.u32 s9, $0xF7A;
	s5 =	simm.s32 @!p2 $0x0  }
0x1d: {  	s5 =	simm.s32 @p1 $0x1;
	p0 =	seq.s32 s7, s2  }
0x1e: {  	s7 =	smul.u32 @!p0 $0xF7A, s2;
	p2 =	seq.s32 @!p0 s5, $0x0  }
0x1f: {  	s9 =	smul.u32 $0xF7A, s1;
	s8 =	simm.s32 @!p0 $0x1BF5;
	p2 =	por !p2, p0  }
0x20: {  	[sflag:s8] =	ssyncset.s32 @!p0 $0xFFFFF086;
	s6 =	sadd.s32 @!p0 s3, s7;
	s7 =	simm.s32 @!p0 $0x108  }
0x21: {  	s3 =	sadd.s32 s3, s9;
	s6 =	sadd.s32 @!p0 $0x88, s6;
	s7 =	simm.s32 @p2 $0x1082  }
0x22: {  	[simem:s7], [sflag:s8] =	dma.local @!p0 [hbm:s6], $0xF7A  }
0x23: {  	s9 =	sor.u32 $0xD0000000, s2;
	s6 =	simm.s32 $0x108;
	_ =	swait.ge @!p0 [sflag:s8], $0x0  }
0x24: {  	s3 =	sadd.s32 $0x88, s3;
	s6 =	simm.s32 @!p1 $0x1082;
	[sflag:s4] =	ssyncset.s32 $0xFFFFF086  }
0x25: {  	[simem:s6], [sflag:s4] =	dma.local [hbm:s3], $0xF7A  }
0x26: {  	[smem:$0x3F9F] =	sst s1;
	(tag) =	ssettag s2;
	_ =	strace s9  }
0x27: {  	s1 =	sld [smem:$0x3FAF]  }
0x28: {  	s2 =	sld [smem:$0x3FB0]  }
0x29: {  	s4 =	sld [smem:$0x3FB2]  }
0x2a: {  	p0 =	seq.s32 s5, $0x0;
	s5 =	sld [smem:$0x3FB3]  }
0x2b: {  	s6 =	sld [smem:$0x3FB4]  }
0x2c: {  	s7 =	sld [smem:$0x3FB5]  }
0x2d: {  	s3 =	simm.s32 $0x108;
	s8 =	sld [smem:$0x3FB6]  }
0x2e: {  	s3 =	simm.s32 @!p0 $0x1082;
	s9 =	sld [smem:$0x3FB7]  }
0x2f: {  	lr =	sadd.s32 s0, s3;
	s0 =	sld [smem:$0x3FAE]  }
0x30: {  	s3 =	sld [smem:$0x3FB1]  }
0x31: {  	[smem:$0x3FBA] =	sst s10  }
0x32: {  	s10 =	sld [smem:$0x3FB8];
	_ =	sdelay $0x3  }
0x33: {  	p0 =	seq.s32 s10, $0x1;
	s10 =	sld [smem:$0x3FBA];
	_ =	sdelay $0x3  }
0x34: {  	[smem:$0x3FBA] =	sst s10  }
0x35: {  	s10 =	sld [smem:$0x3FB9];
	_ =	sdelay $0x3  }
0x36: {  	p1 =	seq.s32 s10, $0x1;
	s10 =	sld [smem:$0x3FBA];
	_ =	sdelay $0x3  }
0x37: {  	[smem:$0x3FBA] =	sst s10  }
0x38: {  	s10 =	sld [smem:$0x3FBB]  }
0x39: {  	_ = 	snop;
	(pc) =	sbr.ind lr, $3  }
0x3a: {  	_ = 	snop  }
0x3b: {  	_ = 	snop  }
0x3c: {  	p2 =	seq.s32 s10, $0x1;
	s10 =	sld [smem:$0x3FBA]  }
0x3d: {  	_ =	shalt  }
0x3e: {  	_ =	shalt  }
0x3f: {  	_ =	shalt  }
0x40: {  	_ =	shalt  }
0x41: {  	_ =	shalt  }
0x42: {  	_ =	shalt  }
0x43: {  	_ =	shalt  }
0x44: {  	_ =	shalt  }
0x45: {  	_ =	shalt  }
0x46: {  	_ =	shalt  }
0x47: {  	_ =	shalt  }
0x48: {  	_ =	shalt  }
0x49: {  	_ =	shalt  }
0x4a: {  	_ =	shalt  }
0x4b: {  	_ =	shalt  }
0x4c: {  	_ =	shalt  }
0x4d: {  	_ =	shalt  }
0x4e: {  	_ =	shalt  }
0x4f: {  	_ =	shalt  }
0x50: {  	_ =	shalt  }
0x51: {  	_ =	shalt  }
0x52: {  	_ =	shalt  }
0x53: {  	_ =	shalt  }
0x54: {  	_ =	shalt  }
0x55: {  	_ =	shalt  }
0x56: {  	_ =	shalt  }
0x57: {  	_ =	shalt  }
0x58: {  	_ =	shalt  }
0x59: {  	_ =	shalt  }
0x5a: {  	_ =	shalt  }
0x5b: {  	_ =	shalt  }
0x5c: {  	_ =	shalt  }
0x5d: {  	_ =	shalt  }
0x5e: {  	_ =	shalt  }
0x5f: {  	_ =	shalt  }
0x60: {  	_ =	shalt  }
0x61: {  	_ =	shalt  }
0x62: {  	_ =	shalt  }
0x63: {  	_ =	shalt  }
0x64: {  	_ =	shalt  }
0x65: {  	_ =	shalt  }
0x66: {  	_ =	shalt  }
0x67: {  	_ =	shalt  }
0x68: {  	_ =	shalt  }
0x69: {  	_ =	shalt  }
0x6a: {  	_ =	shalt  }
0x6b: {  	_ =	shalt  }
0x6c: {  	_ =	shalt  }
0x6d: {  	_ =	shalt  }
0x6e: {  	_ =	shalt  }
0x6f: {  	_ =	shalt  }
0x70: {  	_ =	shalt  }
0x71: {  	_ =	shalt  }
0x72: {  	_ =	shalt  }
0x73: {  	_ =	shalt  }
0x74: {  	_ =	shalt  }
0x75: {  	_ =	shalt  }
0x76: {  	_ =	shalt  }
0x77: {  	_ =	shalt  }
0x78: {  	_ =	shalt  }
0x79: {  	_ =	shalt  }
0x7a: {  	_ =	shalt  }
0x7b: {  	_ =	shalt  }
0x7c: {  	_ =	shalt  }
0x7d: {  	_ =	shalt  }
0x7e: {  	_ =	shalt  }
0x7f: {  	_ =	shalt  }
0x80: {  	_ =	shalt  }
0x81: {  	_ =	shalt  }
0x82: {  	_ =	shalt  }
0x83: {  	_ =	shalt  }
0x84: {  	_ =	shalt  }
0x85: {  	_ =	shalt  }
0x86: {  	_ =	shalt  }
0x87: {  	_ =	shalt  }
.Lfunc_end0:
.L_simem_size_0:
called_computation_lowered:
.L_overlay_start_0:
0x88: {  	s2 =	sld [smem:$0x3FD9]  }
0x89: {  	s3 =	sld [smem:$0x3FFE];
	_ =	sdelay $0x1  }
0x8a: {  	s1 =	srdreg.scid  }
0x8b: {  	s0 =	sand.u32 $0x1, s1  }
0x8c: {  	s14 =	sshll.u32 s0, $0xA;
	s2 =	sadd.s32 s3, s2  }
0x8d: {  	s2 =	sadd.s32 s2, s14  }
0x8e: {  	[smem:$0x3FC6] =	sst s2  }
0x8f: {  	_ = 	snop  }
0x90: {  	s2 =	sld [smem:$0x3FD0];
	_ =	sdelay $0x2  }
0x91: {  	s4 =	simm.s32 $0xA;
	s5 =	simm.s32 $0x10;
	s15 =	sld [smem:$0x3FC8]  }
0x92: {  	[smem:s5], [sflag:s4] =	dma.local [hbm:s2], $0x1  }
0x93: {  	_ =	swait.eq [sflag:s4], $0x1  }
0x94: {  	[sflag:s4] =	ssyncset.done $0x0  }
0x95: {  	[sflag:s4] =	ssyncadd.s32 $0xFFFFFFFF  }
0x96: {  	s16 =	sld [smem:$0x11];
	(tm) =	ssettm $0x1  }
0x97: {  	s17 =	sld [smem:$0x3FFB];
	_ =	sdelay $0x3  }
0x98: {  	_ =	strace s17  }
0x99: {  	s4 =	sld [smem:$0x3FFC];
	_ =	sdelay $0x3  }
0x9a: {  	_ =	strace s4  }
0x9b: {  	s4 =	sld [smem:$0x3FFD];
	_ =	sdelay $0x3  }
0x9c: {  	_ =	strace s4  }
0x9d: {  	_ =	strace $0x8FFFFFFF  }
0x9e: {  	s18 =	sld [smem:$0x3FDB];
	_ =	sdelay $0x1  }
0x9f: {  	s19 =	simm.s32 $_scs_section_size  }
0xa0: {  	s6 =	simm.s32 $_size__tile_overlayer_lowered;
	s7 =	simm.s32 $_tile_overlayer_lowered  }
0xa1: {  	s22 =	simm.s32 $0x1BFF;
	s21 =	sshll.u32 s7, $0x1;
	s4 =	sadd.s32 s19, s18  }
0xa2: {  	s8 =	simm.s32 $0x0;
	s20 =	sshll.u32 s6, $0x1;
	s6 =	sadd.s32 s21, s4  }
0xa3: {  	[timem:s8], [sflag:s22] =	dma.local [hbm:s6], s20  }
0xa4: {  	_ =	swait.ge [sflag:s22], s20  }
0xa5: {  	s5 =	ssub.s32 $0x0, s20;
	[sflag:s22] =	ssyncset.done $0x0  }
0xa6: {  	[sflag:s22] =	ssyncadd.s32 s5;
	_ =	sdelay $0x1  }
0xa7: {  	s23 =	simm.s32 $0x1B8B  }
0xa8: {  	_ =	swait.ge [sflag:s23], $0x1  }
0xa9: {  	[sflag:s23] =	ssyncset.done $0x0  }
0xaa: {  	s25 =	simm.s32 $0x1B8E;
	s24 =	sld [smem:$0x3FFE];
	[sflag:s23] =	ssyncadd.s32 $0xFFFFFFFF  }
0xab: {  	s26 =	simm.s32 $execute0_lowered;
	[smem:$0x3FD2] =	sst s25  }
0xac: {  	s6 =	sshll.u32 s26, $0x1;
	_ =	strace $0x80000046;
	[dreg:$0x1] =	wrdreg $0xFFFFFFFF  }
0xad: {  	s28 =	simm.s32 $_size_execute0_lowered;
	s4 =	sadd.s32 s4, s6;
	[dreg:$0x0] =	wrdreg $0x0  }
0xae: {  	s6 =	sshll.u32 s28, $0x1;
	[dreg:$0x2] =	wrdreg s4  }
0xaf: {  	[dreg:$0x3] =	wrdreg s6  }
0xb0: {  	[dreg:$0x4] =	wrdreg $0xC0  }
0xb1: {  	_ =	task [dreg:s8], $0x5FFFF  }
0xb2: {  	[dreg:$0x1] =	wrdreg $0xFFFFFFFF  }
0xb3: {  	[dreg:$0x0] =	wrdreg $0x60  }
0xb4: {  	[dreg:$0x2] =	wrdreg s24  }
0xb5: {  	[dreg:$0x3] =	wrdreg s15  }
0xb6: {  	[dreg:$0x4] =	wrdreg s16  }
0xb7: {  	[dreg:$0x5] =	wrdreg $0x9  }
0xb8: {  	_ =	task.clear_ibuf [dreg:s8], $0x6FFFF;
	_ =	strace $0x90000046  }
0xb9: {  	s29 =	simm.s32 $0x9;
	_ =	strace $0x80000048  }
0xba: {  	_ =	swait.ge [sflag:s29], $0x1  }
0xbb: {  	[sflag:s29] =	ssyncadd.s32 $0xFFFFFFFF  }
0xbc: {  	_ =	strace $0x90000048  }
0xbd: {  	_ =	sfence  }
0xbe: {  	s30 =	sld [smem:$0x0];
	_ =	sdelay $0x2  }
0xbf: {  	s31 =	sshll.u32 s1, $0xD;
	s1 =	sshrl.u32 s1, $0x2  }
0xc0: {  	s3 =	sand.u32 $0x4000, s31;
	s1 =	sadd.s32 s1, s30  }
0xc1: {  	s0 =	sor.u32 s3, s0;
	s1 =	sshll.u32 s1, $0x11  }
0xc2: {  	s0 =	sor.u32 s1, s0  }
0xc3: {  	s0 =	sadd.s32 $0x8F2B, s0  }
0xc4: {  	[sflag:s0] =	ssyncadd.remote.s32 $0x1  }
0xc5: {  	_ =	sfence.sel $0xFFFF  }
0xc6: {  	[dreg:$0x0] =	wrdreg $0xFFFFFFFF;
	(pc) =	sbr.abs _section_cstart, $3  }
0xc7: {  	[dreg:$0x1] =	wrdreg $0xFFFFFFFF  }
0xc8: {  	_ =	task.clear_ibuf [dreg:s8], $0x2FFFF;
	_ =	strace $0x9FFFFFFF  }
0xc9: {  	(tm) =	ssettm $0x7FFFFFFF  }
tec
execute0_lowered:
.L_overlay_start_1:
0x0: {  	(tag) =	ssettag $0x1  }
0x1: {  	s1 =	srdreg.scid  }
0x2: {  	s0 =	rddreg [dreg:$0x0];
	s3 =	stileid.u32;
	s1 =	sand.u32 $0x1, s1  }
0x3: {  	s2 =	rddreg [dreg:$0x1];
	s5 =	sshll.u32 s3, $0xB;
	s6 =	sshll.u32 s1, $0xA  }
0x4: {  	s4 =	rddreg [dreg:$0x2];
	s5 =	sor.u32 s6, s5  }
0x5: {  	s29 =	simm.s32 $0x400;
	s3 =	simm.s32 $0x0;
	s6 =	sshrl.u32 s5, $0x3  }
0x6: {  	[smem:$0x7FF] =	sst s3;
	s5 =	sshll.u32 s5, $0x5;
	s0 =	sadd.s32 s0, s6  }
0x7: {  	_ =	strace $0x80000047;
	s5 =	sadd.s32 s4, s5;
	[dreg:$0x4] =	wrdreg s0  }
0x8: {  	s13 =	simm.s32 $0x2;
	s22 =	sadd.s32 $0x1000, s5;
	[dreg:$0xc] =	wrdreg s5  }
0x9: {  	s14 =	simm.s32 $0x3;
	s23 =	sadd.s32 $0x2000, s5;
	[dreg:$0x5] =	wrdreg s22  }
0xa: {  	s15 =	simm.s32 $0x4;
	s24 =	sadd.s32 $0x3000, s5;
	[dreg:$0x6] =	wrdreg s23  }
0xb: {  	s1 =	ssub.s32 $0x2, s1;
	s25 =	sadd.s32 $0x4000, s5;
	[dreg:$0x7] =	wrdreg s24  }
0xc: {  	s28 =	sshrl.u32 s1, $0x1;
	s26 =	sadd.s32 $0x5000, s5;
	[dreg:$0x8] =	wrdreg s25  }
0xd: {  	v2 =	vlaneseq.u32;
	s1 =	ssub.s32 s1, s28;
	s30 =	sadd.s32 $0x6000, s5;
	[dreg:$0x9] =	wrdreg s26  }
0xe: {  	vm0 =	vmmov $0xffff;
	v1 =	vshrl.u32 v2, $0x3;
	s31 =	sadd.s32 $0x7000, s5;
	s5 =	smax.u32 s1, $0x1;
	[dreg:$0xa] =	wrdreg s30  }
0xf: {  	v0 =	vand.u32 $0x7, v2;
	v2 =	vor.u32 $0x8, v2;
	v1 =	vmul.u32 $0x8, v1;
	[dreg:$0xb] =	wrdreg s31;
	s23 =	simm.s32 $0x1;
	s24 =	simm.s32 $0x8400  }
.LBB2_1:
0x10: {  	s16 =	rddreg [dreg:$0x4];
	s18 =	simm.s32 $0x5  }
0x11: {  	[tilespmem:s3], [sflag:$0x5] =	stream.linear.gather [hbm4b:s16+s3], $0x400, $0x38;
	[tilespmem:$0x10400] =	vst v63  }
0x12: {  	_ =	swait.ge [sflag:s18], $0x400  }
0x13: {  	[sflag:s18] =	ssyncset.done $0x0  }
0x14: {  	[sflag:s18] =	ssyncadd.s32 $0xFFFFFC00  }
0x15: {  	v3 =	vld [tilespmem:$0x0];
	_ =	sdelay $0x4  }
0x16: {  	v4 =	vshll.u32 v3, $0x1  }
0x17: {  	v3 =	vand.u32 $0x7, v3;
	v4 =	vand.u32 $0xFFFFFFF0, v4  }
0x18: {  	v3 =	vor.u32 v3, v4  }
0x19: {  	v4 =	vperm.xlane v3, v0;
	_ =	sdelay $0x1  }
0x1a: {  	v3 =	vperm.xlane v3, v2;
	v4 =	vadd.s32 v1, v4;
	_ =	sdelay $0x1  }
0x1b: {  	v3 =	vadd.s32 v1, v3;
	_ =	sdelay $0x2  }
0x1c: {  	[tilespmem:s29], [sflag:$0x1] =	stream.indirect_vreg.gather [hbm4b:s2+s3], $0x80, v4, vm0, $0xb8;
	[tilespmem:$0x10400] =	vst v63  }
0x1d: {  	s0 =	simm.s32 $0xC00  }
0x1e: {  	[tilespmem:s0], [sflag:$0x1] =	stream.indirect_vreg.gather [hbm4b:s2+s3], $0x80, v3, vm0, $0xb8;
	[tilespmem:$0x10400] =	vst v63  }
0x1f: {  	v3 =	vld [tilespmem:$0x10];
	_ =	sdelay $0x4  }
0x20: {  	v57 =	vshll.u32 v3, $0x1  }
0x21: {  	v3 =	vand.u32 $0x7, v3;
	v4 =	vand.u32 $0xFFFFFFF0, v57  }
0x22: {  	v3 =	vor.u32 v3, v4  }
0x23: {  	v4 =	vperm.xlane v3, v0;
	_ =	sdelay $0x1  }
0x24: {  	v3 =	vperm.xlane v3, v2;
	v4 =	vadd.s32 v1, v4;
	_ =	sdelay $0x1  }
0x25: {  	v3 =	vadd.s32 v1, v3;
	_ =	sdelay $0x1  }
0x26: {  	s19 =	simm.s32 $0x1400  }
0x27: {  	[tilespmem:s19], [sflag:$0x1] =	stream.indirect_vreg.gather [hbm4b:s2+s3], $0x80, v4, vm0, $0xb8;
	[tilespmem:$0x10400] =	vst v63  }
0x28: {  	s20 =	simm.s32 $0x1C00  }
0x29: {  	[tilespmem:s20], [sflag:$0x1] =	stream.indirect_vreg.gather [hbm4b:s2+s3], $0x80, v3, vm0, $0xb8;
	[tilespmem:$0x10400] =	vst v63  }
0x2a: {  	v3 =	vld [tilespmem:$0x20];
	_ =	sdelay $0x4  }
0x2b: {  	v58 =	vshll.u32 v3, $0x1  }
0x2c: {  	v3 =	vand.u32 $0x7, v3;
	v4 =	vand.u32 $0xFFFFFFF0, v58  }
0x2d: {  	v3 =	vor.u32 v3, v4  }
0x2e: {  	v4 =	vperm.xlane v3, v0;
	_ =	sdelay $0x1  }
0x2f: {  	v3 =	vperm.xlane v3, v2;
	v4 =	vadd.s32 v1, v4;
	_ =	sdelay $0x1  }
0x30: {  	v3 =	vadd.s32 v1, v3;
	_ =	sdelay $0x1  }
0x31: {  	s21 =	simm.s32 $0x2400  }
0x32: {  	[tilespmem:s21], [sflag:$0x1] =	stream.indirect_vreg.gather [hbm4b:s2+s3], $0x80, v4, vm0, $0xb8;
	[tilespmem:$0x10400] =	vst v63  }
0x33: {  	s22 =	simm.s32 $0x2C00  }
0x34: {  	[tilespmem:s22], [sflag:$0x1] =	stream.indirect_vreg.gather [hbm4b:s2+s3], $0x80, v3, vm0, $0xb8;
	[tilespmem:$0x10400] =	vst v63  }
0x35: {  	v3 =	vld [tilespmem:$0x30];
	_ =	sdelay $0x4  }
0x36: {  	v59 =	vshll.u32 v3, $0x1  }
0x37: {  	v3 =	vand.u32 $0x7, v3;
	v4 =	vand.u32 $0xFFFFFFF0, v59  }
0x38: {  	v3 =	vor.u32 v3, v4  }
0x39: {  	v4 =	vperm.xlane v3, v0;
	_ =	sdelay $0x1  }
0x3a: {  	v3 =	vperm.xlane v3, v2;
	v4 =	vadd.s32 v1, v4;
	_ =	sdelay $0x1  }
0x3b: {  	v3 =	vadd.s32 v1, v3;
	_ =	sdelay $0x1  }
0x3c: {  	s25 =	simm.s32 $0x3400  }
0x3d: {  	[tilespmem:s25], [sflag:$0x1] =	stream.indirect_vreg.gather [hbm4b:s2+s3], $0x80, v4, vm0, $0xb8;
	[tilespmem:$0x10400] =	vst v63  }
0x3e: {  	s26 =	simm.s32 $0x3C00  }
0x3f: {  	[tilespmem:s26], [sflag:$0x1] =	stream.indirect_vreg.gather [hbm4b:s2+s3], $0x80, v3, vm0, $0xb8;
	[tilespmem:$0x10400] =	vst v63  }
0x40: {  	v3 =	vld [tilespmem:$0x40];
	_ =	sdelay $0x4  }
0x41: {  	v60 =	vshll.u32 v3, $0x1  }
0x42: {  	v3 =	vand.u32 $0x7, v3;
	v4 =	vand.u32 $0xFFFFFFF0, v60  }
0x43: {  	v3 =	vor.u32 v3, v4  }
0x44: {  	v4 =	vperm.xlane v3, v0;
	_ =	sdelay $0x1  }
0x45: {  	v3 =	vperm.xlane v3, v2;
	v4 =	vadd.s32 v1, v4;
	_ =	sdelay $0x1  }
0x46: {  	v3 =	vadd.s32 v1, v3;
	_ =	sdelay $0x1  }
0x47: {  	s28 =	simm.s32 $0x4400  }
0x48: {  	[tilespmem:s28], [sflag:$0x1] =	stream.indirect_vreg.gather [hbm4b:s2+s3], $0x80, v4, vm0, $0xb8;
	[tilespmem:$0x10400] =	vst v63  }
0x49: {  	s30 =	simm.s32 $0x4C00  }
0x4a: {  	[tilespmem:s30], [sflag:$0x1] =	stream.indirect_vreg.gather [hbm4b:s2+s3], $0x80, v3, vm0, $0xb8;
	[tilespmem:$0x10400] =	vst v63  }
0x4b: {  	v3 =	vld [tilespmem:$0x50];
	_ =	sdelay $0x4  }
0x4c: {  	v61 =	vshll.u32 v3, $0x1  }
0x4d: {  	v3 =	vand.u32 $0x7, v3;
	v4 =	vand.u32 $0xFFFFFFF0, v61  }
0x4e: {  	v3 =	vor.u32 v3, v4  }
0x4f: {  	v4 =	vperm.xlane v3, v0;
	_ =	sdelay $0x1  }
0x50: {  	v3 =	vperm.xlane v3, v2;
	v4 =	vadd.s32 v1, v4;
	_ =	sdelay $0x1  }
0x51: {  	v3 =	vadd.s32 v1, v3;
	_ =	sdelay $0x1  }
0x52: {  	s31 =	simm.s32 $0x5400  }
0x53: {  	[tilespmem:s31], [sflag:$0x1] =	stream.indirect_vreg.gather [hbm4b:s2+s3], $0x80, v4, vm0, $0xb8;
	[tilespmem:$0x10400] =	vst v63  }
0x54: {  	s1 =	simm.s32 $0x5C00  }
0x55: {  	[tilespmem:s1], [sflag:$0x1] =	stream.indirect_vreg.gather [hbm4b:s2+s3], $0x80, v3, vm0, $0xb8;
	[tilespmem:$0x10400] =	vst v63  }
0x56: {  	v3 =	vld [tilespmem:$0x60];
	_ =	sdelay $0x4  }
0x57: {  	v62 =	vshll.u32 v3, $0x1  }
0x58: {  	v3 =	vand.u32 $0x7, v3;
	v4 =	vand.u32 $0xFFFFFFF0, v62  }
0x59: {  	v3 =	vor.u32 v3, v4  }
0x5a: {  	v4 =	vperm.xlane v3, v0;
	_ =	sdelay $0x1  }
0x5b: {  	v3 =	vperm.xlane v3, v2;
	v4 =	vadd.s32 v1, v4;
	_ =	sdelay $0x1  }
0x5c: {  	v3 =	vadd.s32 v1, v3;
	_ =	sdelay $0x1  }
0x5d: {  	s4 =	simm.s32 $0x6400  }
0x5e: {  	[tilespmem:s4], [sflag:$0x1] =	stream.indirect_vreg.gather [hbm4b:s2+s3], $0x80, v4, vm0, $0xb8;
	[tilespmem:$0x10400] =	vst v63  }
0x5f: {  	s6 =	simm.s32 $0x6C00  }
0x60: {  	[tilespmem:s6], [sflag:$0x1] =	stream.indirect_vreg.gather [hbm4b:s2+s3], $0x80, v3, vm0, $0xb8;
	[tilespmem:$0x10400] =	vst v63  }
0x61: {  	v3 =	vld [tilespmem:$0x70];
	_ =	sdelay $0x4  }
0x62: {  	v63 =	vshll.u32 v3, $0x1  }
0x63: {  	v3 =	vand.u32 $0x7, v3;
	v4 =	vand.u32 $0xFFFFFFF0, v63  }
0x64: {  	v3 =	vor.u32 v3, v4  }
0x65: {  	v4 =	vperm.xlane v3, v0;
	_ =	sdelay $0x1  }
0x66: {  	v3 =	vperm.xlane v3, v2;
	v4 =	vadd.s32 v1, v4;
	_ =	sdelay $0x1  }
0x67: {  	v3 =	vadd.s32 v1, v3;
	_ =	sdelay $0x1  }
0x68: {  	s7 =	simm.s32 $0x7400  }
0x69: {  	[tilespmem:s7], [sflag:$0x1] =	stream.indirect_vreg.gather [hbm4b:s2+s3], $0x80, v4, vm0, $0xb8;
	[tilespmem:$0x10400] =	vst v63  }
0x6a: {  	s8 =	simm.s32 $0x7C00  }
0x6b: {  	[tilespmem:s8], [sflag:$0x1] =	stream.indirect_vreg.gather [hbm4b:s2+s3], $0x80, v3, vm0, $0xb8;
	[tilespmem:$0x10400] =	vst v63  }
0x6c: {  	_ =	swait.ge [sflag:s23], $0x8000  }
0x6d: {  	[sflag:s23] =	ssyncset.done $0x0  }
0x6e: {  	[sflag:s23] =	ssyncadd.s32 $0xFFFF8000  }
0x6f: {  	v3 =	vld [tilespmem:$0x80];
	_ =	sdelay $0x4  }
0x70: {  	v8 =	vshll.u32 v3, $0x1  }
0x71: {  	v3 =	vand.u32 $0x7, v3;
	v4 =	vand.u32 $0xFFFFFFF0, v8  }
0x72: {  	v3 =	vor.u32 v3, v4  }
0x73: {  	v4 =	vperm.xlane v3, v0;
	_ =	sdelay $0x1  }
0x74: {  	v3 =	vperm.xlane v3, v2;
	v4 =	vadd.s32 v1, v4;
	_ =	sdelay $0x1  }
0x75: {  	v3 =	vadd.s32 v1, v3;
	_ =	sdelay $0x2  }
0x76: {  	[tilespmem:s24], [sflag:$0x2] =	stream.indirect_vreg.gather [hbm4b:s2+s3], $0x80, v4, vm0, $0xb8;
	[tilespmem:$0x10400] =	vst v63  }
0x77: {  	s16 =	simm.s32 $0x8C00  }
0x78: {  	[tilespmem:s16], [sflag:$0x2] =	stream.indirect_vreg.gather [hbm4b:s2+s3], $0x80, v3, vm0, $0xb8;
	[tilespmem:$0x10400] =	vst v63  }
0x79: {  	v3 =	vld [tilespmem:$0x90];
	_ =	sdelay $0x4  }
0x7a: {  	v9 =	vshll.u32 v3, $0x1  }
0x7b: {  	v3 =	vand.u32 $0x7, v3;
	v4 =	vand.u32 $0xFFFFFFF0, v9  }
0x7c: {  	v3 =	vor.u32 v3, v4  }
0x7d: {  	v4 =	vperm.xlane v3, v0;
	_ =	sdelay $0x1  }
0x7e: {  	v3 =	vperm.xlane v3, v2;
	v4 =	vadd.s32 v1, v4;
	_ =	sdelay $0x1  }
0x7f: {  	v3 =	vadd.s32 v1, v3;
	_ =	sdelay $0x1  }
0x80: {  	s17 =	simm.s32 $0x9400  }
0x81: {  	[tilespmem:s17], [sflag:$0x2] =	stream.indirect_vreg.gather [hbm4b:s2+s3], $0x80, v4, vm0, $0xb8;
	[tilespmem:$0x10400] =	vst v63  }
0x82: {  	s18 =	simm.s32 $0x9C00  }
0x83: {  	[tilespmem:s18], [sflag:$0x2] =	stream.indirect_vreg.gather [hbm4b:s2+s3], $0x80, v3, vm0, $0xb8;
	[tilespmem:$0x10400] =	vst v63  }
0x84: {  	v3 =	vld [tilespmem:$0xA0];
	_ =	sdelay $0x4  }
0x85: {  	v10 =	vshll.u32 v3, $0x1  }
0x86: {  	v3 =	vand.u32 $0x7, v3;
	v4 =	vand.u32 $0xFFFFFFF0, v10  }
0x87: {  	v3 =	vor.u32 v3, v4  }
0x88: {  	v4 =	vperm.xlane v3, v0;
	_ =	sdelay $0x1  }
0x89: {  	v3 =	vperm.xlane v3, v2;
	v4 =	vadd.s32 v1, v4;
	_ =	sdelay $0x1  }
0x8a: {  	v3 =	vadd.s32 v1, v3;
	_ =	sdelay $0x1  }
0x8b: {  	s19 =	simm.s32 $0xA400  }
0x8c: {  	[tilespmem:s19], [sflag:$0x2] =	stream.indirect_vreg.gather [hbm4b:s2+s3], $0x80, v4, vm0, $0xb8;
	[tilespmem:$0x10400] =	vst v63  }
0x8d: {  	s30 =	simm.s32 $0xAC00  }
0x8e: {  	[tilespmem:s30], [sflag:$0x2] =	stream.indirect_vreg.gather [hbm4b:s2+s3], $0x80, v3, vm0, $0xb8;
	[tilespmem:$0x10400] =	vst v63  }
0x8f: {  	v3 =	vld [tilespmem:$0xB0];
	_ =	sdelay $0x4  }
0x90: {  	v11 =	vshll.u32 v3, $0x1  }
0x91: {  	v3 =	vand.u32 $0x7, v3;
	v4 =	vand.u32 $0xFFFFFFF0, v11  }
0x92: {  	v3 =	vor.u32 v3, v4  }
0x93: {  	v4 =	vperm.xlane v3, v0;
	_ =	sdelay $0x1  }
0x94: {  	v3 =	vperm.xlane v3, v2;
	v4 =	vadd.s32 v1, v4;
	_ =	sdelay $0x1  }
0x95: {  	v3 =	vadd.s32 v1, v3;
	_ =	sdelay $0x1  }
0x96: {  	s31 =	simm.s32 $0xB400  }
0x97: {  	[tilespmem:s31], [sflag:$0x2] =	stream.indirect_vreg.gather [hbm4b:s2+s3], $0x80, v4, vm0, $0xb8;
	[tilespmem:$0x10400] =	vst v63  }
0x98: {  	s16 =	simm.s32 $0xBC00  }
0x99: {  	[tilespmem:s16], [sflag:$0x2] =	stream.indirect_vreg.gather [hbm4b:s2+s3], $0x80, v3, vm0, $0xb8;
	[tilespmem:$0x10400] =	vst v63  }
0x9a: {  	v3 =	vld [tilespmem:$0xC0];
	_ =	sdelay $0x4  }
0x9b: {  	v12 =	vshll.u32 v3, $0x1  }
0x9c: {  	v3 =	vand.u32 $0x7, v3;
	v4 =	vand.u32 $0xFFFFFFF0, v12  }
0x9d: {  	v3 =	vor.u32 v3, v4  }
0x9e: {  	v4 =	vperm.xlane v3, v0;
	_ =	sdelay $0x1  }
0x9f: {  	v3 =	vperm.xlane v3, v2;
	v4 =	vadd.s32 v1, v4;
	_ =	sdelay $0x1  }
0xa0: {  	v3 =	vadd.s32 v1, v3;
	_ =	sdelay $0x1  }
0xa1: {  	s17 =	simm.s32 $0xC400  }
0xa2: {  	[tilespmem:s17], [sflag:$0x2] =	stream.indirect_vreg.gather [hbm4b:s2+s3], $0x80, v4, vm0, $0xb8;
	[tilespmem:$0x10400] =	vst v63  }
0xa3: {  	s18 =	simm.s32 $0xCC00  }
0xa4: {  	[tilespmem:s18], [sflag:$0x2] =	stream.indirect_vreg.gather [hbm4b:s2+s3], $0x80, v3, vm0, $0xb8;
	[tilespmem:$0x10400] =	vst v63  }
0xa5: {  	v3 =	vld [tilespmem:$0xD0];
	_ =	sdelay $0x4  }
0xa6: {  	v13 =	vshll.u32 v3, $0x1  }
0xa7: {  	v3 =	vand.u32 $0x7, v3;
	v4 =	vand.u32 $0xFFFFFFF0, v13  }
0xa8: {  	v3 =	vor.u32 v3, v4  }
0xa9: {  	v4 =	vperm.xlane v3, v0;
	_ =	sdelay $0x1  }
0xaa: {  	v3 =	vperm.xlane v3, v2;
	v4 =	vadd.s32 v1, v4;
	_ =	sdelay $0x1  }
0xab: {  	v3 =	vadd.s32 v1, v3;
	_ =	sdelay $0x1  }
0xac: {  	s19 =	simm.s32 $0xD400  }
0xad: {  	[tilespmem:s19], [sflag:$0x2] =	stream.indirect_vreg.gather [hbm4b:s2+s3], $0x80, v4, vm0, $0xb8;
	[tilespmem:$0x10400] =	vst v63  }
0xae: {  	s30 =	simm.s32 $0xDC00  }
0xaf: {  	[tilespmem:s30], [sflag:$0x2] =	stream.indirect_vreg.gather [hbm4b:s2+s3], $0x80, v3, vm0, $0xb8;
	[tilespmem:$0x10400] =	vst v63  }
0xb0: {  	v3 =	vld [tilespmem:$0xE0];
	_ =	sdelay $0x4  }
0xb1: {  	v14 =	vshll.u32 v3, $0x1  }
0xb2: {  	v3 =	vand.u32 $0x7, v3;
	v4 =	vand.u32 $0xFFFFFFF0, v14  }
0xb3: {  	v3 =	vor.u32 v3, v4  }
0xb4: {  	v4 =	vperm.xlane v3, v0;
	_ =	sdelay $0x1  }
0xb5: {  	v3 =	vperm.xlane v3, v2;
	v4 =	vadd.s32 v1, v4;
	_ =	sdelay $0x1  }
0xb6: {  	v3 =	vadd.s32 v1, v3;
	_ =	sdelay $0x1  }
0xb7: {  	s31 =	simm.s32 $0xE400  }
0xb8: {  	[tilespmem:s31], [sflag:$0x2] =	stream.indirect_vreg.gather [hbm4b:s2+s3], $0x80, v4, vm0, $0xb8;
	[tilespmem:$0x10400] =	vst v63  }
0xb9: {  	s16 =	simm.s32 $0xEC00  }
0xba: {  	[tilespmem:s16], [sflag:$0x2] =	stream.indirect_vreg.gather [hbm4b:s2+s3], $0x80, v3, vm0, $0xb8;
	[tilespmem:$0x10400] =	vst v63  }
0xbb: {  	v3 =	vld [tilespmem:$0xF0];
	_ =	sdelay $0x4  }
0xbc: {  	v15 =	vshll.u32 v3, $0x1  }
0xbd: {  	v3 =	vand.u32 $0x7, v3;
	v4 =	vand.u32 $0xFFFFFFF0, v15  }
0xbe: {  	v3 =	vor.u32 v3, v4  }
0xbf: {  	v4 =	vperm.xlane v3, v0;
	_ =	sdelay $0x1  }
0xc0: {  	v3 =	vperm.xlane v3, v2;
	v4 =	vadd.s32 v1, v4;
	_ =	sdelay $0x1  }
0xc1: {  	v3 =	vadd.s32 v1, v3;
	_ =	sdelay $0x1  }
0xc2: {  	s17 =	simm.s32 $0xF400  }
0xc3: {  	[tilespmem:s17], [sflag:$0x2] =	stream.indirect_vreg.gather [hbm4b:s2+s3], $0x80, v4, vm0, $0xb8;
	[tilespmem:$0x10400] =	vst v63  }
0xc4: {  	s18 =	simm.s32 $0xFC00  }
0xc5: {  	[tilespmem:s18], [sflag:$0x2] =	stream.indirect_vreg.gather [hbm4b:s2+s3], $0x80, v3, vm0, $0xb8;
	[tilespmem:$0x10400] =	vst v63  }
0xc6: {  	s19 =	rddreg [dreg:$0xc]  }
0xc7: {  	[hbm4b:s19+s3] =	stream.linear.scatter [tilespmem:s29], [sflag:$0x3], $0x8000, $0x38;
	[tilespmem:$0x10400] =	vst v63  }
0xc8: {  	_ =	swait.ge [sflag:s13], $0x8000  }
0xc9: {  	[sflag:s13] =	ssyncset.done $0x0  }
0xca: {  	[sflag:s13] =	ssyncadd.s32 $0xFFFF8000  }
0xcb: {  	_ =	swait.ge [sflag:s14], $0x8000  }
0xcc: {  	[sflag:s14] =	ssyncset.done $0x0  }
0xcd: {  	[sflag:s14] =	ssyncadd.s32 $0xFFFF8000  }
0xce: {  	v3 =	vld [tilespmem:$0x100];
	_ =	sdelay $0x4  }
0xcf: {  	v16 =	vshll.u32 v3, $0x1  }
0xd0: {  	v3 =	vand.u32 $0x7, v3;
	v4 =	vand.u32 $0xFFFFFFF0, v16  }
0xd1: {  	v3 =	vor.u32 v3, v4  }
0xd2: {  	v4 =	vperm.xlane v3, v0;
	_ =	sdelay $0x1  }
0xd3: {  	v3 =	vperm.xlane v3, v2;
	v4 =	vadd.s32 v1, v4;
	_ =	sdelay $0x1  }
0xd4: {  	v3 =	vadd.s32 v1, v3;
	_ =	sdelay $0x2  }
0xd5: {  	[tilespmem:s29], [sflag:$0x1] =	stream.indirect_vreg.gather [hbm4b:s2+s3], $0x80, v4, vm0, $0xb8;
	[tilespmem:$0x10400] =	vst v63  }
0xd6: {  	s11 =	simm.s32 $0xC00  }
0xd7: {  	[tilespmem:s11], [sflag:$0x1] =	stream.indirect_vreg.gather [hbm4b:s2+s3], $0x80, v3, vm0, $0xb8;
	[tilespmem:$0x10400] =	vst v63  }
0xd8: {  	v3 =	vld [tilespmem:$0x110];
	_ =	sdelay $0x4  }
0xd9: {  	v17 =	vshll.u32 v3, $0x1  }
0xda: {  	v3 =	vand.u32 $0x7, v3;
	v4 =	vand.u32 $0xFFFFFFF0, v17  }
0xdb: {  	v3 =	vor.u32 v3, v4  }
0xdc: {  	v4 =	vperm.xlane v3, v0;
	_ =	sdelay $0x1  }
0xdd: {  	v3 =	vperm.xlane v3, v2;
	v4 =	vadd.s32 v1, v4;
	_ =	sdelay $0x1  }
0xde: {  	v3 =	vadd.s32 v1, v3;
	_ =	sdelay $0x1  }
0xdf: {  	s9 =	simm.s32 $0x1400  }
0xe0: {  	[tilespmem:s9], [sflag:$0x1] =	stream.indirect_vreg.gather [hbm4b:s2+s3], $0x80, v4, vm0, $0xb8;
	[tilespmem:$0x10400] =	vst v63  }
0xe1: {  	s12 =	simm.s32 $0x1C00  }
0xe2: {  	[tilespmem:s12], [sflag:$0x1] =	stream.indirect_vreg.gather [hbm4b:s2+s3], $0x80, v3, vm0, $0xb8;
	[tilespmem:$0x10400] =	vst v63  }
0xe3: {  	v3 =	vld [tilespmem:$0x120];
	_ =	sdelay $0x4  }
0xe4: {  	v18 =	vshll.u32 v3, $0x1  }
0xe5: {  	v3 =	vand.u32 $0x7, v3;
	v4 =	vand.u32 $0xFFFFFFF0, v18  }
0xe6: {  	v3 =	vor.u32 v3, v4  }
0xe7: {  	v4 =	vperm.xlane v3, v0;
	_ =	sdelay $0x1  }
0xe8: {  	v3 =	vperm.xlane v3, v2;
	v4 =	vadd.s32 v1, v4;
	_ =	sdelay $0x1  }
0xe9: {  	v3 =	vadd.s32 v1, v3;
	_ =	sdelay $0x1  }
0xea: {  	s20 =	simm.s32 $0x2400  }
0xeb: {  	[tilespmem:s20], [sflag:$0x1] =	stream.indirect_vreg.gather [hbm4b:s2+s3], $0x80, v4, vm0, $0xb8;
	[tilespmem:$0x10400] =	vst v63  }
0xec: {  	s21 =	simm.s32 $0x2C00  }
0xed: {  	[tilespmem:s21], [sflag:$0x1] =	stream.indirect_vreg.gather [hbm4b:s2+s3], $0x80, v3, vm0, $0xb8;
	[tilespmem:$0x10400] =	vst v63  }
0xee: {  	v3 =	vld [tilespmem:$0x130];
	_ =	sdelay $0x4  }
0xef: {  	v19 =	vshll.u32 v3, $0x1  }
0xf0: {  	v3 =	vand.u32 $0x7, v3;
	v4 =	vand.u32 $0xFFFFFFF0, v19  }
0xf1: {  	v3 =	vor.u32 v3, v4  }
0xf2: {  	v4 =	vperm.xlane v3, v0;
	_ =	sdelay $0x1  }
0xf3: {  	v3 =	vperm.xlane v3, v2;
	v4 =	vadd.s32 v1, v4;
	_ =	sdelay $0x1  }
0xf4: {  	v3 =	vadd.s32 v1, v3;
	_ =	sdelay $0x1  }
0xf5: {  	s22 =	simm.s32 $0x3400  }
0xf6: {  	[tilespmem:s22], [sflag:$0x1] =	stream.indirect_vreg.gather [hbm4b:s2+s3], $0x80, v4, vm0, $0xb8;
	[tilespmem:$0x10400] =	vst v63  }
0xf7: {  	s25 =	simm.s32 $0x3C00  }
0xf8: {  	[tilespmem:s25], [sflag:$0x1] =	stream.indirect_vreg.gather [hbm4b:s2+s3], $0x80, v3, vm0, $0xb8;
	[tilespmem:$0x10400] =	vst v63  }
0xf9: {  	v3 =	vld [tilespmem:$0x140];
	_ =	sdelay $0x4  }
0xfa: {  	v20 =	vshll.u32 v3, $0x1  }
0xfb: {  	v3 =	vand.u32 $0x7, v3;
	v4 =	vand.u32 $0xFFFFFFF0, v20  }
0xfc: {  	v3 =	vor.u32 v3, v4  }
0xfd: {  	v4 =	vperm.xlane v3, v0;
	_ =	sdelay $0x1  }
0xfe: {  	v3 =	vperm.xlane v3, v2;
	v4 =	vadd.s32 v1, v4;
	_ =	sdelay $0x1  }
0xff: {  	v3 =	vadd.s32 v1, v3;
	_ =	sdelay $0x1  }
0x100: {  	s26 =	simm.s32 $0x4400  }
0x101: {  	[tilespmem:s26], [sflag:$0x1] =	stream.indirect_vreg.gather [hbm4b:s2+s3], $0x80, v4, vm0, $0xb8;
	[tilespmem:$0x10400] =	vst v63  }
0x102: {  	s28 =	simm.s32 $0x4C00  }
0x103: {  	[tilespmem:s28], [sflag:$0x1] =	stream.indirect_vreg.gather [hbm4b:s2+s3], $0x80, v3, vm0, $0xb8;
	[tilespmem:$0x10400] =	vst v63  }
0x104: {  	v3 =	vld [tilespmem:$0x150];
	_ =	sdelay $0x4  }
0x105: {  	v21 =	vshll.u32 v3, $0x1  }
0x106: {  	v3 =	vand.u32 $0x7, v3;
	v4 =	vand.u32 $0xFFFFFFF0, v21  }
0x107: {  	v3 =	vor.u32 v3, v4  }
0x108: {  	v4 =	vperm.xlane v3, v0;
	_ =	sdelay $0x1  }
0x109: {  	v3 =	vperm.xlane v3, v2;
	v4 =	vadd.s32 v1, v4;
	_ =	sdelay $0x1  }
0x10a: {  	v3 =	vadd.s32 v1, v3;
	_ =	sdelay $0x1  }
0x10b: {  	s17 =	simm.s32 $0x5400  }
0x10c: {  	[tilespmem:s17], [sflag:$0x1] =	stream.indirect_vreg.gather [hbm4b:s2+s3], $0x80, v4, vm0, $0xb8;
	[tilespmem:$0x10400] =	vst v63  }
0x10d: {  	s18 =	simm.s32 $0x5C00  }
0x10e: {  	[tilespmem:s18], [sflag:$0x1] =	stream.indirect_vreg.gather [hbm4b:s2+s3], $0x80, v3, vm0, $0xb8;
	[tilespmem:$0x10400] =	vst v63  }
0x10f: {  	v3 =	vld [tilespmem:$0x160];
	_ =	sdelay $0x4  }
0x110: {  	v22 =	vshll.u32 v3, $0x1  }
0x111: {  	v3 =	vand.u32 $0x7, v3;
	v4 =	vand.u32 $0xFFFFFFF0, v22  }
0x112: {  	v3 =	vor.u32 v3, v4  }
0x113: {  	v4 =	vperm.xlane v3, v0;
	_ =	sdelay $0x1  }
0x114: {  	v3 =	vperm.xlane v3, v2;
	v4 =	vadd.s32 v1, v4;
	_ =	sdelay $0x1  }
0x115: {  	v3 =	vadd.s32 v1, v3;
	_ =	sdelay $0x1  }
0x116: {  	s19 =	simm.s32 $0x6400  }
0x117: {  	[tilespmem:s19], [sflag:$0x1] =	stream.indirect_vreg.gather [hbm4b:s2+s3], $0x80, v4, vm0, $0xb8;
	[tilespmem:$0x10400] =	vst v63  }
0x118: {  	s12 =	simm.s32 $0x6C00  }
0x119: {  	[tilespmem:s12], [sflag:$0x1] =	stream.indirect_vreg.gather [hbm4b:s2+s3], $0x80, v3, vm0, $0xb8;
	[tilespmem:$0x10400] =	vst v63  }
0x11a: {  	v3 =	vld [tilespmem:$0x170];
	_ =	sdelay $0x4  }
0x11b: {  	v23 =	vshll.u32 v3, $0x1  }
0x11c: {  	v3 =	vand.u32 $0x7, v3;
	v4 =	vand.u32 $0xFFFFFFF0, v23  }
0x11d: {  	v3 =	vor.u32 v3, v4  }
0x11e: {  	v4 =	vperm.xlane v3, v0;
	_ =	sdelay $0x1  }
0x11f: {  	v3 =	vperm.xlane v3, v2;
	v4 =	vadd.s32 v1, v4;
	_ =	sdelay $0x1  }
0x120: {  	v3 =	vadd.s32 v1, v3;
	_ =	sdelay $0x1  }
0x121: {  	s10 =	simm.s32 $0x7400  }
0x122: {  	[tilespmem:s10], [sflag:$0x1] =	stream.indirect_vreg.gather [hbm4b:s2+s3], $0x80, v4, vm0, $0xb8;
	[tilespmem:$0x10400] =	vst v63  }
0x123: {  	s6 =	simm.s32 $0x7C00  }
0x124: {  	[tilespmem:s6], [sflag:$0x1] =	stream.indirect_vreg.gather [hbm4b:s2+s3], $0x80, v3, vm0, $0xb8;
	[tilespmem:$0x10400] =	vst v63  }
0x125: {  	s26 =	rddreg [dreg:$0x5]  }
0x126: {  	[hbm4b:s26+s3] =	stream.linear.scatter [tilespmem:s24], [sflag:$0x4], $0x8000, $0x38;
	[tilespmem:$0x10400] =	vst v63  }
0x127: {  	_ =	swait.ge [sflag:s23], $0x8000  }
0x128: {  	[sflag:s23] =	ssyncset.done $0x0  }
0x129: {  	[sflag:s23] =	ssyncadd.s32 $0xFFFF8000  }
0x12a: {  	_ =	swait.ge [sflag:s15], $0x8000  }
0x12b: {  	[sflag:s15] =	ssyncset.done $0x0  }
0x12c: {  	[sflag:s15] =	ssyncadd.s32 $0xFFFF8000  }
0x12d: {  	v3 =	vld [tilespmem:$0x180];
	_ =	sdelay $0x4  }
0x12e: {  	v24 =	vshll.u32 v3, $0x1  }
0x12f: {  	v3 =	vand.u32 $0x7, v3;
	v4 =	vand.u32 $0xFFFFFFF0, v24  }
0x130: {  	v3 =	vor.u32 v3, v4  }
0x131: {  	v4 =	vperm.xlane v3, v0;
	_ =	sdelay $0x1  }
0x132: {  	v3 =	vperm.xlane v3, v2;
	v4 =	vadd.s32 v1, v4;
	_ =	sdelay $0x1  }
0x133: {  	v3 =	vadd.s32 v1, v3;
	_ =	sdelay $0x2  }
0x134: {  	[tilespmem:s24], [sflag:$0x2] =	stream.indirect_vreg.gather [hbm4b:s2+s3], $0x80, v4, vm0, $0xb8;
	[tilespmem:$0x10400] =	vst v63  }
0x135: {  	s6 =	simm.s32 $0x8C00  }
0x136: {  	[tilespmem:s6], [sflag:$0x2] =	stream.indirect_vreg.gather [hbm4b:s2+s3], $0x80, v3, vm0, $0xb8;
	[tilespmem:$0x10400] =	vst v63  }
0x137: {  	v3 =	vld [tilespmem:$0x190];
	_ =	sdelay $0x4  }
0x138: {  	v25 =	vshll.u32 v3, $0x1  }
0x139: {  	v3 =	vand.u32 $0x7, v3;
	v4 =	vand.u32 $0xFFFFFFF0, v25  }
0x13a: {  	v3 =	vor.u32 v3, v4  }
0x13b: {  	v4 =	vperm.xlane v3, v0;
	_ =	sdelay $0x1  }
0x13c: {  	v3 =	vperm.xlane v3, v2;
	v4 =	vadd.s32 v1, v4;
	_ =	sdelay $0x1  }
0x13d: {  	v3 =	vadd.s32 v1, v3;
	_ =	sdelay $0x1  }
0x13e: {  	s1 =	simm.s32 $0x9400  }
0x13f: {  	[tilespmem:s1], [sflag:$0x2] =	stream.indirect_vreg.gather [hbm4b:s2+s3], $0x80, v4, vm0, $0xb8;
	[tilespmem:$0x10400] =	vst v63  }
0x140: {  	s7 =	simm.s32 $0x9C00  }
0x141: {  	[tilespmem:s7], [sflag:$0x2] =	stream.indirect_vreg.gather [hbm4b:s2+s3], $0x80, v3, vm0, $0xb8;
	[tilespmem:$0x10400] =	vst v63  }
0x142: {  	v3 =	vld [tilespmem:$0x1A0];
	_ =	sdelay $0x4  }
0x143: {  	v26 =	vshll.u32 v3, $0x1  }
0x144: {  	v3 =	vand.u32 $0x7, v3;
	v4 =	vand.u32 $0xFFFFFFF0, v26  }
0x145: {  	v3 =	vor.u32 v3, v4  }
0x146: {  	v4 =	vperm.xlane v3, v0;
	_ =	sdelay $0x1  }
0x147: {  	v3 =	vperm.xlane v3, v2;
	v4 =	vadd.s32 v1, v4;
	_ =	sdelay $0x1  }
0x148: {  	v3 =	vadd.s32 v1, v3;
	_ =	sdelay $0x1  }
0x149: {  	s4 =	simm.s32 $0xA400  }
0x14a: {  	[tilespmem:s4], [sflag:$0x2] =	stream.indirect_vreg.gather [hbm4b:s2+s3], $0x80, v4, vm0, $0xb8;
	[tilespmem:$0x10400] =	vst v63  }
0x14b: {  	s8 =	simm.s32 $0xAC00  }
0x14c: {  	[tilespmem:s8], [sflag:$0x2] =	stream.indirect_vreg.gather [hbm4b:s2+s3], $0x80, v3, vm0, $0xb8;
	[tilespmem:$0x10400] =	vst v63  }
0x14d: {  	v3 =	vld [tilespmem:$0x1B0];
	_ =	sdelay $0x4  }
0x14e: {  	v27 =	vshll.u32 v3, $0x1  }
0x14f: {  	v3 =	vand.u32 $0x7, v3;
	v4 =	vand.u32 $0xFFFFFFF0, v27  }
0x150: {  	v3 =	vor.u32 v3, v4  }
0x151: {  	v4 =	vperm.xlane v3, v0;
	_ =	sdelay $0x1  }
0x152: {  	v3 =	vperm.xlane v3, v2;
	v4 =	vadd.s32 v1, v4;
	_ =	sdelay $0x1  }
0x153: {  	v3 =	vadd.s32 v1, v3;
	_ =	sdelay $0x1  }
0x154: {  	s7 =	simm.s32 $0xB400  }
0x155: {  	[tilespmem:s7], [sflag:$0x2] =	stream.indirect_vreg.gather [hbm4b:s2+s3], $0x80, v4, vm0, $0xb8;
	[tilespmem:$0x10400] =	vst v63  }
0x156: {  	s8 =	simm.s32 $0xBC00  }
0x157: {  	[tilespmem:s8], [sflag:$0x2] =	stream.indirect_vreg.gather [hbm4b:s2+s3], $0x80, v3, vm0, $0xb8;
	[tilespmem:$0x10400] =	vst v63  }
0x158: {  	v3 =	vld [tilespmem:$0x1C0];
	_ =	sdelay $0x4  }
0x159: {  	v28 =	vshll.u32 v3, $0x1  }
0x15a: {  	v3 =	vand.u32 $0x7, v3;
	v4 =	vand.u32 $0xFFFFFFF0, v28  }
0x15b: {  	v3 =	vor.u32 v3, v4  }
0x15c: {  	v4 =	vperm.xlane v3, v0;
	_ =	sdelay $0x1  }
0x15d: {  	v3 =	vperm.xlane v3, v2;
	v4 =	vadd.s32 v1, v4;
	_ =	sdelay $0x1  }
0x15e: {  	v3 =	vadd.s32 v1, v3;
	_ =	sdelay $0x1  }
0x15f: {  	s0 =	simm.s32 $0xC400  }
0x160: {  	[tilespmem:s0], [sflag:$0x2] =	stream.indirect_vreg.gather [hbm4b:s2+s3], $0x80, v4, vm0, $0xb8;
	[tilespmem:$0x10400] =	vst v63  }
0x161: {  	s9 =	simm.s32 $0xCC00  }
0x162: {  	[tilespmem:s9], [sflag:$0x2] =	stream.indirect_vreg.gather [hbm4b:s2+s3], $0x80, v3, vm0, $0xb8;
	[tilespmem:$0x10400] =	vst v63  }
0x163: {  	v3 =	vld [tilespmem:$0x1D0];
	_ =	sdelay $0x4  }
0x164: {  	v29 =	vshll.u32 v3, $0x1  }
0x165: {  	v3 =	vand.u32 $0x7, v3;
	v4 =	vand.u32 $0xFFFFFFF0, v29  }
0x166: {  	v3 =	vor.u32 v3, v4  }
0x167: {  	v4 =	vperm.xlane v3, v0;
	_ =	sdelay $0x1  }
0x168: {  	v3 =	vperm.xlane v3, v2;
	v4 =	vadd.s32 v1, v4;
	_ =	sdelay $0x1  }
0x169: {  	v3 =	vadd.s32 v1, v3;
	_ =	sdelay $0x1  }
0x16a: {  	s1 =	simm.s32 $0xD400  }
0x16b: {  	[tilespmem:s1], [sflag:$0x2] =	stream.indirect_vreg.gather [hbm4b:s2+s3], $0x80, v4, vm0, $0xb8;
	[tilespmem:$0x10400] =	vst v63  }
0x16c: {  	s10 =	simm.s32 $0xDC00  }
0x16d: {  	[tilespmem:s10], [sflag:$0x2] =	stream.indirect_vreg.gather [hbm4b:s2+s3], $0x80, v3, vm0, $0xb8;
	[tilespmem:$0x10400] =	vst v63  }
0x16e: {  	v3 =	vld [tilespmem:$0x1E0];
	_ =	sdelay $0x4  }
0x16f: {  	v30 =	vshll.u32 v3, $0x1  }
0x170: {  	v3 =	vand.u32 $0x7, v3;
	v4 =	vand.u32 $0xFFFFFFF0, v30  }
0x171: {  	v3 =	vor.u32 v3, v4  }
0x172: {  	v4 =	vperm.xlane v3, v0;
	_ =	sdelay $0x1  }
0x173: {  	v3 =	vperm.xlane v3, v2;
	v4 =	vadd.s32 v1, v4;
	_ =	sdelay $0x1  }
0x174: {  	v3 =	vadd.s32 v1, v3;
	_ =	sdelay $0x1  }
0x175: {  	s4 =	simm.s32 $0xE400  }
0x176: {  	[tilespmem:s4], [sflag:$0x2] =	stream.indirect_vreg.gather [hbm4b:s2+s3], $0x80, v4, vm0, $0xb8;
	[tilespmem:$0x10400] =	vst v63  }
0x177: {  	s11 =	simm.s32 $0xEC00  }
0x178: {  	[tilespmem:s11], [sflag:$0x2] =	stream.indirect_vreg.gather [hbm4b:s2+s3], $0x80, v3, vm0, $0xb8;
	[tilespmem:$0x10400] =	vst v63  }
0x179: {  	v3 =	vld [tilespmem:$0x1F0];
	_ =	sdelay $0x4  }
0x17a: {  	v31 =	vshll.u32 v3, $0x1  }
0x17b: {  	v3 =	vand.u32 $0x7, v3;
	v4 =	vand.u32 $0xFFFFFFF0, v31  }
0x17c: {  	v3 =	vor.u32 v3, v4  }
0x17d: {  	v4 =	vperm.xlane v3, v0;
	_ =	sdelay $0x1  }
0x17e: {  	v3 =	vperm.xlane v3, v2;
	v4 =	vadd.s32 v1, v4;
	_ =	sdelay $0x1  }
0x17f: {  	v3 =	vadd.s32 v1, v3;
	_ =	sdelay $0x1  }
0x180: {  	s31 =	simm.s32 $0xF400  }
0x181: {  	[tilespmem:s31], [sflag:$0x2] =	stream.indirect_vreg.gather [hbm4b:s2+s3], $0x80, v4, vm0, $0xb8;
	[tilespmem:$0x10400] =	vst v63  }
0x182: {  	s20 =	simm.s32 $0xFC00  }
0x183: {  	[tilespmem:s20], [sflag:$0x2] =	stream.indirect_vreg.gather [hbm4b:s2+s3], $0x80, v3, vm0, $0xb8;
	[tilespmem:$0x10400] =	vst v63  }
0x184: {  	s16 =	rddreg [dreg:$0x6]  }
0x185: {  	[hbm4b:s16+s3] =	stream.linear.scatter [tilespmem:s29], [sflag:$0x3], $0x8000, $0x38;
	[tilespmem:$0x10400] =	vst v63  }
0x186: {  	_ =	swait.ge [sflag:s13], $0x8000  }
0x187: {  	[sflag:s13] =	ssyncset.done $0x0  }
0x188: {  	[sflag:s13] =	ssyncadd.s32 $0xFFFF8000  }
0x189: {  	_ =	swait.ge [sflag:s14], $0x8000  }
0x18a: {  	[sflag:s14] =	ssyncset.done $0x0  }
0x18b: {  	[sflag:s14] =	ssyncadd.s32 $0xFFFF8000  }
0x18c: {  	v3 =	vld [tilespmem:$0x200];
	_ =	sdelay $0x4  }
0x18d: {  	v32 =	vshll.u32 v3, $0x1  }
0x18e: {  	v3 =	vand.u32 $0x7, v3;
	v4 =	vand.u32 $0xFFFFFFF0, v32  }
0x18f: {  	v3 =	vor.u32 v3, v4  }
0x190: {  	v4 =	vperm.xlane v3, v0;
	_ =	sdelay $0x1  }
0x191: {  	v3 =	vperm.xlane v3, v2;
	v4 =	vadd.s32 v1, v4;
	_ =	sdelay $0x1  }
0x192: {  	v3 =	vadd.s32 v1, v3;
	_ =	sdelay $0x2  }
0x193: {  	[tilespmem:s29], [sflag:$0x1] =	stream.indirect_vreg.gather [hbm4b:s2+s3], $0x80, v4, vm0, $0xb8;
	[tilespmem:$0x10400] =	vst v63  }
0x194: {  	s16 =	simm.s32 $0xC00  }
0x195: {  	[tilespmem:s16], [sflag:$0x1] =	stream.indirect_vreg.gather [hbm4b:s2+s3], $0x80, v3, vm0, $0xb8;
	[tilespmem:$0x10400] =	vst v63  }
0x196: {  	v3 =	vld [tilespmem:$0x210];
	_ =	sdelay $0x4  }
0x197: {  	v33 =	vshll.u32 v3, $0x1  }
0x198: {  	v3 =	vand.u32 $0x7, v3;
	v4 =	vand.u32 $0xFFFFFFF0, v33  }
0x199: {  	v3 =	vor.u32 v3, v4  }
0x19a: {  	v4 =	vperm.xlane v3, v0;
	_ =	sdelay $0x1  }
0x19b: {  	v3 =	vperm.xlane v3, v2;
	v4 =	vadd.s32 v1, v4;
	_ =	sdelay $0x1  }
0x19c: {  	v3 =	vadd.s32 v1, v3;
	_ =	sdelay $0x1  }
0x19d: {  	s30 =	simm.s32 $0x1400  }
0x19e: {  	[tilespmem:s30], [sflag:$0x1] =	stream.indirect_vreg.gather [hbm4b:s2+s3], $0x80, v4, vm0, $0xb8;
	[tilespmem:$0x10400] =	vst v63  }
0x19f: {  	s30 =	simm.s32 $0x1C00  }
0x1a0: {  	[tilespmem:s30], [sflag:$0x1] =	stream.indirect_vreg.gather [hbm4b:s2+s3], $0x80, v3, vm0, $0xb8;
	[tilespmem:$0x10400] =	vst v63  }
0x1a1: {  	v3 =	vld [tilespmem:$0x220];
	_ =	sdelay $0x4  }
0x1a2: {  	v34 =	vshll.u32 v3, $0x1  }
0x1a3: {  	v3 =	vand.u32 $0x7, v3;
	v4 =	vand.u32 $0xFFFFFFF0, v34  }
0x1a4: {  	v3 =	vor.u32 v3, v4  }
0x1a5: {  	v4 =	vperm.xlane v3, v0;
	_ =	sdelay $0x1  }
0x1a6: {  	v3 =	vperm.xlane v3, v2;
	v4 =	vadd.s32 v1, v4;
	_ =	sdelay $0x1  }
0x1a7: {  	v3 =	vadd.s32 v1, v3;
	_ =	sdelay $0x1  }
0x1a8: {  	s30 =	simm.s32 $0x2400  }
0x1a9: {  	[tilespmem:s30], [sflag:$0x1] =	stream.indirect_vreg.gather [hbm4b:s2+s3], $0x80, v4, vm0, $0xb8;
	[tilespmem:$0x10400] =	vst v63  }
0x1aa: {  	s30 =	simm.s32 $0x2C00  }
0x1ab: {  	[tilespmem:s30], [sflag:$0x1] =	stream.indirect_vreg.gather [hbm4b:s2+s3], $0x80, v3, vm0, $0xb8;
	[tilespmem:$0x10400] =	vst v63  }
0x1ac: {  	v3 =	vld [tilespmem:$0x230];
	_ =	sdelay $0x4  }
0x1ad: {  	v35 =	vshll.u32 v3, $0x1  }
0x1ae: {  	v3 =	vand.u32 $0x7, v3;
	v4 =	vand.u32 $0xFFFFFFF0, v35  }
0x1af: {  	v3 =	vor.u32 v3, v4  }
0x1b0: {  	v4 =	vperm.xlane v3, v0;
	_ =	sdelay $0x1  }
0x1b1: {  	v3 =	vperm.xlane v3, v2;
	v4 =	vadd.s32 v1, v4;
	_ =	sdelay $0x1  }
0x1b2: {  	v3 =	vadd.s32 v1, v3;
	_ =	sdelay $0x1  }
0x1b3: {  	s30 =	simm.s32 $0x3400  }
0x1b4: {  	[tilespmem:s30], [sflag:$0x1] =	stream.indirect_vreg.gather [hbm4b:s2+s3], $0x80, v4, vm0, $0xb8;
	[tilespmem:$0x10400] =	vst v63  }
0x1b5: {  	s30 =	simm.s32 $0x3C00  }
0x1b6: {  	[tilespmem:s30], [sflag:$0x1] =	stream.indirect_vreg.gather [hbm4b:s2+s3], $0x80, v3, vm0, $0xb8;
	[tilespmem:$0x10400] =	vst v63  }
0x1b7: {  	v3 =	vld [tilespmem:$0x240];
	_ =	sdelay $0x4  }
0x1b8: {  	v36 =	vshll.u32 v3, $0x1  }
0x1b9: {  	v3 =	vand.u32 $0x7, v3;
	v4 =	vand.u32 $0xFFFFFFF0, v36  }
0x1ba: {  	v3 =	vor.u32 v3, v4  }
0x1bb: {  	v4 =	vperm.xlane v3, v0;
	_ =	sdelay $0x1  }
0x1bc: {  	v3 =	vperm.xlane v3, v2;
	v4 =	vadd.s32 v1, v4;
	_ =	sdelay $0x1  }
0x1bd: {  	v3 =	vadd.s32 v1, v3;
	_ =	sdelay $0x1  }
0x1be: {  	s30 =	simm.s32 $0x4400  }
0x1bf: {  	[tilespmem:s30], [sflag:$0x1] =	stream.indirect_vreg.gather [hbm4b:s2+s3], $0x80, v4, vm0, $0xb8;
	[tilespmem:$0x10400] =	vst v63  }
0x1c0: {  	s30 =	simm.s32 $0x4C00  }
0x1c1: {  	[tilespmem:s30], [sflag:$0x1] =	stream.indirect_vreg.gather [hbm4b:s2+s3], $0x80, v3, vm0, $0xb8;
	[tilespmem:$0x10400] =	vst v63  }
0x1c2: {  	v3 =	vld [tilespmem:$0x250];
	_ =	sdelay $0x4  }
0x1c3: {  	v37 =	vshll.u32 v3, $0x1  }
0x1c4: {  	v3 =	vand.u32 $0x7, v3;
	v4 =	vand.u32 $0xFFFFFFF0, v37  }
0x1c5: {  	v3 =	vor.u32 v3, v4  }
0x1c6: {  	v4 =	vperm.xlane v3, v0;
	_ =	sdelay $0x1  }
0x1c7: {  	v3 =	vperm.xlane v3, v2;
	v4 =	vadd.s32 v1, v4;
	_ =	sdelay $0x1  }
0x1c8: {  	v3 =	vadd.s32 v1, v3;
	_ =	sdelay $0x2  }
0x1c9: {  	[tilespmem:s17], [sflag:$0x1] =	stream.indirect_vreg.gather [hbm4b:s2+s3], $0x80, v4, vm0, $0xb8;
	[tilespmem:$0x10400] =	vst v63  }
0x1ca: {  	_ = 	snop  }
0x1cb: {  	[tilespmem:s18], [sflag:$0x1] =	stream.indirect_vreg.gather [hbm4b:s2+s3], $0x80, v3, vm0, $0xb8;
	[tilespmem:$0x10400] =	vst v63  }
0x1cc: {  	v3 =	vld [tilespmem:$0x260];
	_ =	sdelay $0x4  }
0x1cd: {  	v38 =	vshll.u32 v3, $0x1  }
0x1ce: {  	v3 =	vand.u32 $0x7, v3;
	v4 =	vand.u32 $0xFFFFFFF0, v38  }
0x1cf: {  	v3 =	vor.u32 v3, v4  }
0x1d0: {  	v4 =	vperm.xlane v3, v0;
	_ =	sdelay $0x1  }
0x1d1: {  	v3 =	vperm.xlane v3, v2;
	v4 =	vadd.s32 v1, v4;
	_ =	sdelay $0x1  }
0x1d2: {  	v3 =	vadd.s32 v1, v3;
	_ =	sdelay $0x2  }
0x1d3: {  	[tilespmem:s19], [sflag:$0x1] =	stream.indirect_vreg.gather [hbm4b:s2+s3], $0x80, v4, vm0, $0xb8;
	[tilespmem:$0x10400] =	vst v63  }
0x1d4: {  	_ = 	snop  }
0x1d5: {  	[tilespmem:s12], [sflag:$0x1] =	stream.indirect_vreg.gather [hbm4b:s2+s3], $0x80, v3, vm0, $0xb8;
	[tilespmem:$0x10400] =	vst v63  }
0x1d6: {  	v3 =	vld [tilespmem:$0x270];
	_ =	sdelay $0x4  }
0x1d7: {  	v39 =	vshll.u32 v3, $0x1  }
0x1d8: {  	v3 =	vand.u32 $0x7, v3;
	v4 =	vand.u32 $0xFFFFFFF0, v39  }
0x1d9: {  	v3 =	vor.u32 v3, v4  }
0x1da: {  	v4 =	vperm.xlane v3, v0;
	_ =	sdelay $0x1  }
0x1db: {  	v3 =	vperm.xlane v3, v2;
	v4 =	vadd.s32 v1, v4;
	_ =	sdelay $0x1  }
0x1dc: {  	v3 =	vadd.s32 v1, v3;
	_ =	sdelay $0x1  }
0x1dd: {  	s17 =	simm.s32 $0x7400  }
0x1de: {  	[tilespmem:s17], [sflag:$0x1] =	stream.indirect_vreg.gather [hbm4b:s2+s3], $0x80, v4, vm0, $0xb8;
	[tilespmem:$0x10400] =	vst v63  }
0x1df: {  	s28 =	simm.s32 $0x7C00  }
0x1e0: {  	[tilespmem:s28], [sflag:$0x1] =	stream.indirect_vreg.gather [hbm4b:s2+s3], $0x80, v3, vm0, $0xb8;
	[tilespmem:$0x10400] =	vst v63  }
0x1e1: {  	s18 =	rddreg [dreg:$0x7]  }
0x1e2: {  	[hbm4b:s18+s3] =	stream.linear.scatter [tilespmem:s24], [sflag:$0x4], $0x8000, $0x38;
	[tilespmem:$0x10400] =	vst v63  }
0x1e3: {  	_ =	swait.ge [sflag:s23], $0x8000  }
0x1e4: {  	[sflag:s23] =	ssyncset.done $0x0  }
0x1e5: {  	[sflag:s23] =	ssyncadd.s32 $0xFFFF8000  }
0x1e6: {  	_ =	swait.ge [sflag:s15], $0x8000  }
0x1e7: {  	[sflag:s15] =	ssyncset.done $0x0  }
0x1e8: {  	[sflag:s15] =	ssyncadd.s32 $0xFFFF8000  }
0x1e9: {  	v3 =	vld [tilespmem:$0x280];
	_ =	sdelay $0x4  }
0x1ea: {  	v40 =	vshll.u32 v3, $0x1  }
0x1eb: {  	v3 =	vand.u32 $0x7, v3;
	v4 =	vand.u32 $0xFFFFFFF0, v40  }
0x1ec: {  	v3 =	vor.u32 v3, v4  }
0x1ed: {  	v4 =	vperm.xlane v3, v0;
	_ =	sdelay $0x1  }
0x1ee: {  	v3 =	vperm.xlane v3, v2;
	v4 =	vadd.s32 v1, v4;
	_ =	sdelay $0x1  }
0x1ef: {  	v3 =	vadd.s32 v1, v3;
	_ =	sdelay $0x2  }
0x1f0: {  	[tilespmem:s24], [sflag:$0x2] =	stream.indirect_vreg.gather [hbm4b:s2+s3], $0x80, v4, vm0, $0xb8;
	[tilespmem:$0x10400] =	vst v63  }
0x1f1: {  	_ = 	snop  }
0x1f2: {  	[tilespmem:s6], [sflag:$0x2] =	stream.indirect_vreg.gather [hbm4b:s2+s3], $0x80, v3, vm0, $0xb8;
	[tilespmem:$0x10400] =	vst v63  }
0x1f3: {  	v3 =	vld [tilespmem:$0x290];
	_ =	sdelay $0x4  }
0x1f4: {  	v41 =	vshll.u32 v3, $0x1  }
0x1f5: {  	v3 =	vand.u32 $0x7, v3;
	v4 =	vand.u32 $0xFFFFFFF0, v41  }
0x1f6: {  	v3 =	vor.u32 v3, v4  }
0x1f7: {  	v4 =	vperm.xlane v3, v0;
	_ =	sdelay $0x1  }
0x1f8: {  	v3 =	vperm.xlane v3, v2;
	v4 =	vadd.s32 v1, v4;
	_ =	sdelay $0x1  }
0x1f9: {  	v3 =	vadd.s32 v1, v3;
	_ =	sdelay $0x1  }
0x1fa: {  	s21 =	simm.s32 $0x9400  }
0x1fb: {  	[tilespmem:s21], [sflag:$0x2] =	stream.indirect_vreg.gather [hbm4b:s2+s3], $0x80, v4, vm0, $0xb8;
	[tilespmem:$0x10400] =	vst v63  }
0x1fc: {  	s25 =	simm.s32 $0x9C00  }
0x1fd: {  	[tilespmem:s25], [sflag:$0x2] =	stream.indirect_vreg.gather [hbm4b:s2+s3], $0x80, v3, vm0, $0xb8;
	[tilespmem:$0x10400] =	vst v63  }
0x1fe: {  	v3 =	vld [tilespmem:$0x2A0];
	_ =	sdelay $0x4  }
0x1ff: {  	v42 =	vshll.u32 v3, $0x1  }
0x200: {  	v3 =	vand.u32 $0x7, v3;
	v4 =	vand.u32 $0xFFFFFFF0, v42  }
0x201: {  	v3 =	vor.u32 v3, v4  }
0x202: {  	v4 =	vperm.xlane v3, v0;
	_ =	sdelay $0x1  }
0x203: {  	v3 =	vperm.xlane v3, v2;
	v4 =	vadd.s32 v1, v4;
	_ =	sdelay $0x1  }
0x204: {  	v3 =	vadd.s32 v1, v3;
	_ =	sdelay $0x1  }
0x205: {  	s22 =	simm.s32 $0xA400  }
0x206: {  	[tilespmem:s22], [sflag:$0x2] =	stream.indirect_vreg.gather [hbm4b:s2+s3], $0x80, v4, vm0, $0xb8;
	[tilespmem:$0x10400] =	vst v63  }
0x207: {  	s26 =	simm.s32 $0xAC00  }
0x208: {  	[tilespmem:s26], [sflag:$0x2] =	stream.indirect_vreg.gather [hbm4b:s2+s3], $0x80, v3, vm0, $0xb8;
	[tilespmem:$0x10400] =	vst v63  }
0x209: {  	v3 =	vld [tilespmem:$0x2B0];
	_ =	sdelay $0x4  }
0x20a: {  	v43 =	vshll.u32 v3, $0x1  }
0x20b: {  	v3 =	vand.u32 $0x7, v3;
	v4 =	vand.u32 $0xFFFFFFF0, v43  }
0x20c: {  	v3 =	vor.u32 v3, v4  }
0x20d: {  	v4 =	vperm.xlane v3, v0;
	_ =	sdelay $0x1  }
0x20e: {  	v3 =	vperm.xlane v3, v2;
	v4 =	vadd.s32 v1, v4;
	_ =	sdelay $0x1  }
0x20f: {  	v3 =	vadd.s32 v1, v3;
	_ =	sdelay $0x2  }
0x210: {  	[tilespmem:s7], [sflag:$0x2] =	stream.indirect_vreg.gather [hbm4b:s2+s3], $0x80, v4, vm0, $0xb8;
	[tilespmem:$0x10400] =	vst v63  }
0x211: {  	_ = 	snop  }
0x212: {  	[tilespmem:s8], [sflag:$0x2] =	stream.indirect_vreg.gather [hbm4b:s2+s3], $0x80, v3, vm0, $0xb8;
	[tilespmem:$0x10400] =	vst v63  }
0x213: {  	v3 =	vld [tilespmem:$0x2C0];
	_ =	sdelay $0x4  }
0x214: {  	v44 =	vshll.u32 v3, $0x1  }
0x215: {  	v3 =	vand.u32 $0x7, v3;
	v4 =	vand.u32 $0xFFFFFFF0, v44  }
0x216: {  	v3 =	vor.u32 v3, v4  }
0x217: {  	v4 =	vperm.xlane v3, v0;
	_ =	sdelay $0x1  }
0x218: {  	v3 =	vperm.xlane v3, v2;
	v4 =	vadd.s32 v1, v4;
	_ =	sdelay $0x1  }
0x219: {  	v3 =	vadd.s32 v1, v3;
	_ =	sdelay $0x2  }
0x21a: {  	[tilespmem:s0], [sflag:$0x2] =	stream.indirect_vreg.gather [hbm4b:s2+s3], $0x80, v4, vm0, $0xb8;
	[tilespmem:$0x10400] =	vst v63  }
0x21b: {  	_ = 	snop  }
0x21c: {  	[tilespmem:s9], [sflag:$0x2] =	stream.indirect_vreg.gather [hbm4b:s2+s3], $0x80, v3, vm0, $0xb8;
	[tilespmem:$0x10400] =	vst v63  }
0x21d: {  	v3 =	vld [tilespmem:$0x2D0];
	_ =	sdelay $0x4  }
0x21e: {  	v45 =	vshll.u32 v3, $0x1  }
0x21f: {  	v3 =	vand.u32 $0x7, v3;
	v4 =	vand.u32 $0xFFFFFFF0, v45  }
0x220: {  	v3 =	vor.u32 v3, v4  }
0x221: {  	v4 =	vperm.xlane v3, v0;
	_ =	sdelay $0x1  }
0x222: {  	v3 =	vperm.xlane v3, v2;
	v4 =	vadd.s32 v1, v4;
	_ =	sdelay $0x1  }
0x223: {  	v3 =	vadd.s32 v1, v3;
	_ =	sdelay $0x2  }
0x224: {  	[tilespmem:s1], [sflag:$0x2] =	stream.indirect_vreg.gather [hbm4b:s2+s3], $0x80, v4, vm0, $0xb8;
	[tilespmem:$0x10400] =	vst v63  }
0x225: {  	_ = 	snop  }
0x226: {  	[tilespmem:s10], [sflag:$0x2] =	stream.indirect_vreg.gather [hbm4b:s2+s3], $0x80, v3, vm0, $0xb8;
	[tilespmem:$0x10400] =	vst v63  }
0x227: {  	v3 =	vld [tilespmem:$0x2E0];
	_ =	sdelay $0x4  }
0x228: {  	v46 =	vshll.u32 v3, $0x1  }
0x229: {  	v3 =	vand.u32 $0x7, v3;
	v4 =	vand.u32 $0xFFFFFFF0, v46  }
0x22a: {  	v3 =	vor.u32 v3, v4  }
0x22b: {  	v4 =	vperm.xlane v3, v0;
	_ =	sdelay $0x1  }
0x22c: {  	v3 =	vperm.xlane v3, v2;
	v4 =	vadd.s32 v1, v4;
	_ =	sdelay $0x1  }
0x22d: {  	v3 =	vadd.s32 v1, v3;
	_ =	sdelay $0x2  }
0x22e: {  	[tilespmem:s4], [sflag:$0x2] =	stream.indirect_vreg.gather [hbm4b:s2+s3], $0x80, v4, vm0, $0xb8;
	[tilespmem:$0x10400] =	vst v63  }
0x22f: {  	_ = 	snop  }
0x230: {  	[tilespmem:s11], [sflag:$0x2] =	stream.indirect_vreg.gather [hbm4b:s2+s3], $0x80, v3, vm0, $0xb8;
	[tilespmem:$0x10400] =	vst v63  }
0x231: {  	v3 =	vld [tilespmem:$0x2F0];
	_ =	sdelay $0x4  }
0x232: {  	v47 =	vshll.u32 v3, $0x1  }
0x233: {  	v3 =	vand.u32 $0x7, v3;
	v4 =	vand.u32 $0xFFFFFFF0, v47  }
0x234: {  	v3 =	vor.u32 v3, v4  }
0x235: {  	v4 =	vperm.xlane v3, v0;
	_ =	sdelay $0x1  }
0x236: {  	v3 =	vperm.xlane v3, v2;
	v4 =	vadd.s32 v1, v4;
	_ =	sdelay $0x1  }
0x237: {  	v3 =	vadd.s32 v1, v3;
	_ =	sdelay $0x1  }
0x238: {  	s31 =	simm.s32 $0xF400  }
0x239: {  	[tilespmem:s31], [sflag:$0x2] =	stream.indirect_vreg.gather [hbm4b:s2+s3], $0x80, v4, vm0, $0xb8;
	[tilespmem:$0x10400] =	vst v63  }
0x23a: {  	s20 =	simm.s32 $0xFC00  }
0x23b: {  	[tilespmem:s20], [sflag:$0x2] =	stream.indirect_vreg.gather [hbm4b:s2+s3], $0x80, v3, vm0, $0xb8;
	[tilespmem:$0x10400] =	vst v63  }
0x23c: {  	s31 =	rddreg [dreg:$0x8]  }
0x23d: {  	[hbm4b:s31+s3] =	stream.linear.scatter [tilespmem:s29], [sflag:$0x3], $0x8000, $0x38;
	[tilespmem:$0x10400] =	vst v63  }
0x23e: {  	_ =	swait.ge [sflag:s13], $0x8000  }
0x23f: {  	[sflag:s13] =	ssyncset.done $0x0  }
0x240: {  	[sflag:s13] =	ssyncadd.s32 $0xFFFF8000  }
0x241: {  	_ =	swait.ge [sflag:s14], $0x8000  }
0x242: {  	[sflag:s14] =	ssyncset.done $0x0  }
0x243: {  	[sflag:s14] =	ssyncadd.s32 $0xFFFF8000  }
0x244: {  	v3 =	vld [tilespmem:$0x300];
	_ =	sdelay $0x4  }
0x245: {  	v48 =	vshll.u32 v3, $0x1  }
0x246: {  	v3 =	vand.u32 $0x7, v3;
	v4 =	vand.u32 $0xFFFFFFF0, v48  }
0x247: {  	v3 =	vor.u32 v3, v4  }
0x248: {  	v4 =	vperm.xlane v3, v0;
	_ =	sdelay $0x1  }
0x249: {  	v3 =	vperm.xlane v3, v2;
	v4 =	vadd.s32 v1, v4;
	_ =	sdelay $0x1  }
0x24a: {  	v3 =	vadd.s32 v1, v3;
	_ =	sdelay $0x2  }
0x24b: {  	[tilespmem:s29], [sflag:$0x1] =	stream.indirect_vreg.gather [hbm4b:s2+s3], $0x80, v4, vm0, $0xb8;
	[tilespmem:$0x10400] =	vst v63  }
0x24c: {  	s20 =	simm.s32 $0xC00  }
0x24d: {  	[tilespmem:s20], [sflag:$0x1] =	stream.indirect_vreg.gather [hbm4b:s2+s3], $0x80, v3, vm0, $0xb8;
	[tilespmem:$0x10400] =	vst v63  }
0x24e: {  	v3 =	vld [tilespmem:$0x310];
	_ =	sdelay $0x4  }
0x24f: {  	v49 =	vshll.u32 v3, $0x1  }
0x250: {  	v3 =	vand.u32 $0x7, v3;
	v4 =	vand.u32 $0xFFFFFFF0, v49  }
0x251: {  	v3 =	vor.u32 v3, v4  }
0x252: {  	v4 =	vperm.xlane v3, v0;
	_ =	sdelay $0x1  }
0x253: {  	v3 =	vperm.xlane v3, v2;
	v4 =	vadd.s32 v1, v4;
	_ =	sdelay $0x1  }
0x254: {  	v3 =	vadd.s32 v1, v3;
	_ =	sdelay $0x1  }
0x255: {  	s31 =	simm.s32 $0x1400  }
0x256: {  	[tilespmem:s31], [sflag:$0x1] =	stream.indirect_vreg.gather [hbm4b:s2+s3], $0x80, v4, vm0, $0xb8;
	[tilespmem:$0x10400] =	vst v63  }
0x257: {  	s20 =	simm.s32 $0x1C00  }
0x258: {  	[tilespmem:s20], [sflag:$0x1] =	stream.indirect_vreg.gather [hbm4b:s2+s3], $0x80, v3, vm0, $0xb8;
	[tilespmem:$0x10400] =	vst v63  }
0x259: {  	v3 =	vld [tilespmem:$0x320];
	_ =	sdelay $0x4  }
0x25a: {  	v50 =	vshll.u32 v3, $0x1  }
0x25b: {  	v3 =	vand.u32 $0x7, v3;
	v4 =	vand.u32 $0xFFFFFFF0, v50  }
0x25c: {  	v3 =	vor.u32 v3, v4  }
0x25d: {  	v4 =	vperm.xlane v3, v0;
	_ =	sdelay $0x1  }
0x25e: {  	v3 =	vperm.xlane v3, v2;
	v4 =	vadd.s32 v1, v4;
	_ =	sdelay $0x1  }
0x25f: {  	v3 =	vadd.s32 v1, v3;
	_ =	sdelay $0x1  }
0x260: {  	s31 =	simm.s32 $0x2400  }
0x261: {  	[tilespmem:s31], [sflag:$0x1] =	stream.indirect_vreg.gather [hbm4b:s2+s3], $0x80, v4, vm0, $0xb8;
	[tilespmem:$0x10400] =	vst v63  }
0x262: {  	s20 =	simm.s32 $0x2C00  }
0x263: {  	[tilespmem:s20], [sflag:$0x1] =	stream.indirect_vreg.gather [hbm4b:s2+s3], $0x80, v3, vm0, $0xb8;
	[tilespmem:$0x10400] =	vst v63  }
0x264: {  	v3 =	vld [tilespmem:$0x330];
	_ =	sdelay $0x4  }
0x265: {  	v51 =	vshll.u32 v3, $0x1  }
0x266: {  	v3 =	vand.u32 $0x7, v3;
	v4 =	vand.u32 $0xFFFFFFF0, v51  }
0x267: {  	v3 =	vor.u32 v3, v4  }
0x268: {  	v4 =	vperm.xlane v3, v0;
	_ =	sdelay $0x1  }
0x269: {  	v3 =	vperm.xlane v3, v2;
	v4 =	vadd.s32 v1, v4;
	_ =	sdelay $0x1  }
0x26a: {  	v3 =	vadd.s32 v1, v3;
	_ =	sdelay $0x1  }
0x26b: {  	s31 =	simm.s32 $0x3400  }
0x26c: {  	[tilespmem:s31], [sflag:$0x1] =	stream.indirect_vreg.gather [hbm4b:s2+s3], $0x80, v4, vm0, $0xb8;
	[tilespmem:$0x10400] =	vst v63  }
0x26d: {  	s20 =	simm.s32 $0x3C00  }
0x26e: {  	[tilespmem:s20], [sflag:$0x1] =	stream.indirect_vreg.gather [hbm4b:s2+s3], $0x80, v3, vm0, $0xb8;
	[tilespmem:$0x10400] =	vst v63  }
0x26f: {  	v3 =	vld [tilespmem:$0x340];
	_ =	sdelay $0x4  }
0x270: {  	v52 =	vshll.u32 v3, $0x1  }
0x271: {  	v3 =	vand.u32 $0x7, v3;
	v4 =	vand.u32 $0xFFFFFFF0, v52  }
0x272: {  	v3 =	vor.u32 v3, v4  }
0x273: {  	v4 =	vperm.xlane v3, v0;
	_ =	sdelay $0x1  }
0x274: {  	v3 =	vperm.xlane v3, v2;
	v4 =	vadd.s32 v1, v4;
	_ =	sdelay $0x1  }
0x275: {  	v3 =	vadd.s32 v1, v3;
	_ =	sdelay $0x1  }
0x276: {  	s31 =	simm.s32 $0x4400  }
0x277: {  	[tilespmem:s31], [sflag:$0x1] =	stream.indirect_vreg.gather [hbm4b:s2+s3], $0x80, v4, vm0, $0xb8;
	[tilespmem:$0x10400] =	vst v63  }
0x278: {  	s20 =	simm.s32 $0x4C00  }
0x279: {  	[tilespmem:s20], [sflag:$0x1] =	stream.indirect_vreg.gather [hbm4b:s2+s3], $0x80, v3, vm0, $0xb8;
	[tilespmem:$0x10400] =	vst v63  }
0x27a: {  	v3 =	vld [tilespmem:$0x350];
	_ =	sdelay $0x4  }
0x27b: {  	v53 =	vshll.u32 v3, $0x1  }
0x27c: {  	v3 =	vand.u32 $0x7, v3;
	v4 =	vand.u32 $0xFFFFFFF0, v53  }
0x27d: {  	v3 =	vor.u32 v3, v4  }
0x27e: {  	v4 =	vperm.xlane v3, v0;
	_ =	sdelay $0x1  }
0x27f: {  	v3 =	vperm.xlane v3, v2;
	v4 =	vadd.s32 v1, v4;
	_ =	sdelay $0x1  }
0x280: {  	v3 =	vadd.s32 v1, v3;
	_ =	sdelay $0x1  }
0x281: {  	s30 =	simm.s32 $0x5400  }
0x282: {  	[tilespmem:s30], [sflag:$0x1] =	stream.indirect_vreg.gather [hbm4b:s2+s3], $0x80, v4, vm0, $0xb8;
	[tilespmem:$0x10400] =	vst v63  }
0x283: {  	s31 =	simm.s32 $0x5C00  }
0x284: {  	[tilespmem:s31], [sflag:$0x1] =	stream.indirect_vreg.gather [hbm4b:s2+s3], $0x80, v3, vm0, $0xb8;
	[tilespmem:$0x10400] =	vst v63  }
0x285: {  	v3 =	vld [tilespmem:$0x360];
	_ =	sdelay $0x4  }
0x286: {  	v54 =	vshll.u32 v3, $0x1  }
0x287: {  	v3 =	vand.u32 $0x7, v3;
	v4 =	vand.u32 $0xFFFFFFF0, v54  }
0x288: {  	v3 =	vor.u32 v3, v4  }
0x289: {  	v4 =	vperm.xlane v3, v0;
	_ =	sdelay $0x1  }
0x28a: {  	v3 =	vperm.xlane v3, v2;
	v4 =	vadd.s32 v1, v4;
	_ =	sdelay $0x1  }
0x28b: {  	v3 =	vadd.s32 v1, v3;
	_ =	sdelay $0x1  }
0x28c: {  	s19 =	simm.s32 $0x6400  }
0x28d: {  	[tilespmem:s19], [sflag:$0x1] =	stream.indirect_vreg.gather [hbm4b:s2+s3], $0x80, v4, vm0, $0xb8;
	[tilespmem:$0x10400] =	vst v63  }
0x28e: {  	s12 =	simm.s32 $0x6C00  }
0x28f: {  	[tilespmem:s12], [sflag:$0x1] =	stream.indirect_vreg.gather [hbm4b:s2+s3], $0x80, v3, vm0, $0xb8;
	[tilespmem:$0x10400] =	vst v63  }
0x290: {  	v3 =	vld [tilespmem:$0x370];
	_ =	sdelay $0x4  }
0x291: {  	v55 =	vshll.u32 v3, $0x1  }
0x292: {  	v3 =	vand.u32 $0x7, v3;
	v4 =	vand.u32 $0xFFFFFFF0, v55  }
0x293: {  	v3 =	vor.u32 v3, v4  }
0x294: {  	v4 =	vperm.xlane v3, v0;
	_ =	sdelay $0x1  }
0x295: {  	v3 =	vperm.xlane v3, v2;
	v4 =	vadd.s32 v1, v4;
	_ =	sdelay $0x1  }
0x296: {  	v3 =	vadd.s32 v1, v3;
	_ =	sdelay $0x1  }
0x297: {  	s19 =	simm.s32 $0x7400  }
0x298: {  	[tilespmem:s19], [sflag:$0x1] =	stream.indirect_vreg.gather [hbm4b:s2+s3], $0x80, v4, vm0, $0xb8;
	[tilespmem:$0x10400] =	vst v63  }
0x299: {  	s28 =	simm.s32 $0x7C00  }
0x29a: {  	[tilespmem:s28], [sflag:$0x1] =	stream.indirect_vreg.gather [hbm4b:s2+s3], $0x80, v3, vm0, $0xb8;
	[tilespmem:$0x10400] =	vst v63  }
0x29b: {  	s20 =	rddreg [dreg:$0x9]  }
0x29c: {  	[hbm4b:s20+s3] =	stream.linear.scatter [tilespmem:s24], [sflag:$0x4], $0x8000, $0x38;
	[tilespmem:$0x10400] =	vst v63  }
0x29d: {  	_ =	swait.ge [sflag:s23], $0x8000  }
0x29e: {  	[sflag:s23] =	ssyncset.done $0x0  }
0x29f: {  	[sflag:s23] =	ssyncadd.s32 $0xFFFF8000  }
0x2a0: {  	_ =	swait.ge [sflag:s15], $0x8000  }
0x2a1: {  	[sflag:s15] =	ssyncset.done $0x0  }
0x2a2: {  	[sflag:s15] =	ssyncadd.s32 $0xFFFF8000  }
0x2a3: {  	v3 =	vld [tilespmem:$0x380];
	_ =	sdelay $0x4  }
0x2a4: {  	v56 =	vshll.u32 v3, $0x1  }
0x2a5: {  	v3 =	vand.u32 $0x7, v3;
	v4 =	vand.u32 $0xFFFFFFF0, v56  }
0x2a6: {  	v3 =	vor.u32 v3, v4  }
0x2a7: {  	v4 =	vperm.xlane v3, v0;
	_ =	sdelay $0x1  }
0x2a8: {  	v3 =	vperm.xlane v3, v2;
	v4 =	vadd.s32 v1, v4;
	_ =	sdelay $0x1  }
0x2a9: {  	v3 =	vadd.s32 v1, v3;
	_ =	sdelay $0x2  }
0x2aa: {  	[tilespmem:s24], [sflag:$0x2] =	stream.indirect_vreg.gather [hbm4b:s2+s3], $0x80, v4, vm0, $0xb8;
	[tilespmem:$0x10400] =	vst v63  }
0x2ab: {  	s6 =	simm.s32 $0x8C00  }
0x2ac: {  	[tilespmem:s6], [sflag:$0x2] =	stream.indirect_vreg.gather [hbm4b:s2+s3], $0x80, v3, vm0, $0xb8;
	[tilespmem:$0x10400] =	vst v63  }
0x2ad: {  	v3 =	vld [tilespmem:$0x390];
	_ =	sdelay $0x4  }
0x2ae: {  	v57 =	vshll.u32 v3, $0x1  }
0x2af: {  	v3 =	vand.u32 $0x7, v3;
	v4 =	vand.u32 $0xFFFFFFF0, v57  }
0x2b0: {  	v3 =	vor.u32 v3, v4  }
0x2b1: {  	v4 =	vperm.xlane v3, v0;
	_ =	sdelay $0x1  }
0x2b2: {  	v3 =	vperm.xlane v3, v2;
	v4 =	vadd.s32 v1, v4;
	_ =	sdelay $0x1  }
0x2b3: {  	v3 =	vadd.s32 v1, v3;
	_ =	sdelay $0x1  }
0x2b4: {  	s21 =	simm.s32 $0x9400  }
0x2b5: {  	[tilespmem:s21], [sflag:$0x2] =	stream.indirect_vreg.gather [hbm4b:s2+s3], $0x80, v4, vm0, $0xb8;
	[tilespmem:$0x10400] =	vst v63  }
0x2b6: {  	s25 =	simm.s32 $0x9C00  }
0x2b7: {  	[tilespmem:s25], [sflag:$0x2] =	stream.indirect_vreg.gather [hbm4b:s2+s3], $0x80, v3, vm0, $0xb8;
	[tilespmem:$0x10400] =	vst v63  }
0x2b8: {  	v3 =	vld [tilespmem:$0x3A0];
	_ =	sdelay $0x4  }
0x2b9: {  	v58 =	vshll.u32 v3, $0x1  }
0x2ba: {  	v3 =	vand.u32 $0x7, v3;
	v4 =	vand.u32 $0xFFFFFFF0, v58  }
0x2bb: {  	v3 =	vor.u32 v3, v4  }
0x2bc: {  	v4 =	vperm.xlane v3, v0;
	_ =	sdelay $0x1  }
0x2bd: {  	v3 =	vperm.xlane v3, v2;
	v4 =	vadd.s32 v1, v4;
	_ =	sdelay $0x1  }
0x2be: {  	v3 =	vadd.s32 v1, v3;
	_ =	sdelay $0x1  }
0x2bf: {  	s22 =	simm.s32 $0xA400  }
0x2c0: {  	[tilespmem:s22], [sflag:$0x2] =	stream.indirect_vreg.gather [hbm4b:s2+s3], $0x80, v4, vm0, $0xb8;
	[tilespmem:$0x10400] =	vst v63  }
0x2c1: {  	s26 =	simm.s32 $0xAC00  }
0x2c2: {  	[tilespmem:s26], [sflag:$0x2] =	stream.indirect_vreg.gather [hbm4b:s2+s3], $0x80, v3, vm0, $0xb8;
	[tilespmem:$0x10400] =	vst v63  }
0x2c3: {  	v3 =	vld [tilespmem:$0x3B0];
	_ =	sdelay $0x4  }
0x2c4: {  	v59 =	vshll.u32 v3, $0x1  }
0x2c5: {  	v3 =	vand.u32 $0x7, v3;
	v4 =	vand.u32 $0xFFFFFFF0, v59  }
0x2c6: {  	v3 =	vor.u32 v3, v4  }
0x2c7: {  	v4 =	vperm.xlane v3, v0;
	_ =	sdelay $0x1  }
0x2c8: {  	v3 =	vperm.xlane v3, v2;
	v4 =	vadd.s32 v1, v4;
	_ =	sdelay $0x1  }
0x2c9: {  	v3 =	vadd.s32 v1, v3;
	_ =	sdelay $0x1  }
0x2ca: {  	s7 =	simm.s32 $0xB400  }
0x2cb: {  	[tilespmem:s7], [sflag:$0x2] =	stream.indirect_vreg.gather [hbm4b:s2+s3], $0x80, v4, vm0, $0xb8;
	[tilespmem:$0x10400] =	vst v63  }
0x2cc: {  	s8 =	simm.s32 $0xBC00  }
0x2cd: {  	[tilespmem:s8], [sflag:$0x2] =	stream.indirect_vreg.gather [hbm4b:s2+s3], $0x80, v3, vm0, $0xb8;
	[tilespmem:$0x10400] =	vst v63  }
0x2ce: {  	v3 =	vld [tilespmem:$0x3C0];
	_ =	sdelay $0x4  }
0x2cf: {  	v60 =	vshll.u32 v3, $0x1  }
0x2d0: {  	v3 =	vand.u32 $0x7, v3;
	v4 =	vand.u32 $0xFFFFFFF0, v60  }
0x2d1: {  	v3 =	vor.u32 v3, v4  }
0x2d2: {  	v4 =	vperm.xlane v3, v0;
	_ =	sdelay $0x1  }
0x2d3: {  	v3 =	vperm.xlane v3, v2;
	v4 =	vadd.s32 v1, v4;
	_ =	sdelay $0x1  }
0x2d4: {  	v3 =	vadd.s32 v1, v3;
	_ =	sdelay $0x1  }
0x2d5: {  	s0 =	simm.s32 $0xC400  }
0x2d6: {  	[tilespmem:s0], [sflag:$0x2] =	stream.indirect_vreg.gather [hbm4b:s2+s3], $0x80, v4, vm0, $0xb8;
	[tilespmem:$0x10400] =	vst v63  }
0x2d7: {  	s9 =	simm.s32 $0xCC00  }
0x2d8: {  	[tilespmem:s9], [sflag:$0x2] =	stream.indirect_vreg.gather [hbm4b:s2+s3], $0x80, v3, vm0, $0xb8;
	[tilespmem:$0x10400] =	vst v63  }
0x2d9: {  	v3 =	vld [tilespmem:$0x3D0];
	_ =	sdelay $0x4  }
0x2da: {  	v61 =	vshll.u32 v3, $0x1  }
0x2db: {  	v3 =	vand.u32 $0x7, v3;
	v4 =	vand.u32 $0xFFFFFFF0, v61  }
0x2dc: {  	v3 =	vor.u32 v3, v4  }
0x2dd: {  	v4 =	vperm.xlane v3, v0;
	_ =	sdelay $0x1  }
0x2de: {  	v3 =	vperm.xlane v3, v2;
	v4 =	vadd.s32 v1, v4;
	_ =	sdelay $0x1  }
0x2df: {  	v3 =	vadd.s32 v1, v3;
	_ =	sdelay $0x1  }
0x2e0: {  	s1 =	simm.s32 $0xD400  }
0x2e1: {  	[tilespmem:s1], [sflag:$0x2] =	stream.indirect_vreg.gather [hbm4b:s2+s3], $0x80, v4, vm0, $0xb8;
	[tilespmem:$0x10400] =	vst v63  }
0x2e2: {  	s10 =	simm.s32 $0xDC00  }
0x2e3: {  	[tilespmem:s10], [sflag:$0x2] =	stream.indirect_vreg.gather [hbm4b:s2+s3], $0x80, v3, vm0, $0xb8;
	[tilespmem:$0x10400] =	vst v63  }
0x2e4: {  	v3 =	vld [tilespmem:$0x3E0];
	_ =	sdelay $0x4  }
0x2e5: {  	v62 =	vshll.u32 v3, $0x1  }
0x2e6: {  	v3 =	vand.u32 $0x7, v3;
	v4 =	vand.u32 $0xFFFFFFF0, v62  }
0x2e7: {  	v3 =	vor.u32 v3, v4  }
0x2e8: {  	v4 =	vperm.xlane v3, v0;
	_ =	sdelay $0x1  }
0x2e9: {  	v3 =	vperm.xlane v3, v2;
	v4 =	vadd.s32 v1, v4;
	_ =	sdelay $0x1  }
0x2ea: {  	v3 =	vadd.s32 v1, v3;
	_ =	sdelay $0x1  }
0x2eb: {  	s4 =	simm.s32 $0xE400  }
0x2ec: {  	[tilespmem:s4], [sflag:$0x2] =	stream.indirect_vreg.gather [hbm4b:s2+s3], $0x80, v4, vm0, $0xb8;
	[tilespmem:$0x10400] =	vst v63  }
0x2ed: {  	s11 =	simm.s32 $0xEC00  }
0x2ee: {  	[tilespmem:s11], [sflag:$0x2] =	stream.indirect_vreg.gather [hbm4b:s2+s3], $0x80, v3, vm0, $0xb8;
	[tilespmem:$0x10400] =	vst v63  }
0x2ef: {  	v3 =	vld [tilespmem:$0x3F0];
	_ =	sdelay $0x4  }
0x2f0: {  	v63 =	vshll.u32 v3, $0x1  }
0x2f1: {  	v3 =	vand.u32 $0x7, v3;
	v4 =	vand.u32 $0xFFFFFFF0, v63  }
0x2f2: {  	v3 =	vor.u32 v3, v4  }
0x2f3: {  	v4 =	vperm.xlane v3, v0;
	_ =	sdelay $0x1  }
0x2f4: {  	v3 =	vperm.xlane v3, v2;
	v4 =	vadd.s32 v1, v4;
	_ =	sdelay $0x1  }
0x2f5: {  	v3 =	vadd.s32 v1, v3;
	_ =	sdelay $0x1  }
0x2f6: {  	s18 =	simm.s32 $0xF400  }
0x2f7: {  	[tilespmem:s18], [sflag:$0x2] =	stream.indirect_vreg.gather [hbm4b:s2+s3], $0x80, v4, vm0, $0xb8;
	[tilespmem:$0x10400] =	vst v63  }
0x2f8: {  	s17 =	simm.s32 $0xFC00  }
0x2f9: {  	[tilespmem:s17], [sflag:$0x2] =	stream.indirect_vreg.gather [hbm4b:s2+s3], $0x80, v3, vm0, $0xb8;
	[tilespmem:$0x10400] =	vst v63  }
0x2fa: {  	s30 =	rddreg [dreg:$0xa]  }
0x2fb: {  	[hbm4b:s30+s3] =	stream.linear.scatter [tilespmem:s29], [sflag:$0x3], $0x8000, $0x38;
	[tilespmem:$0x10400] =	vst v63  }
0x2fc: {  	_ =	swait.ge [sflag:s13], $0x8000  }
0x2fd: {  	[sflag:s13] =	ssyncset.done $0x0  }
0x2fe: {  	s31 =	rddreg [dreg:$0xb];
	[sflag:s13] =	ssyncadd.s32 $0xFFFF8000  }
0x2ff: {  	[hbm4b:s31+s3] =	stream.linear.scatter [tilespmem:s24], [sflag:$0x4], $0x8000, $0x38;
	[tilespmem:$0x10400] =	vst v63  }
0x300: {  	p0 =	sne.s32 s5, $0x1;
	_ =	swait.ge [sflag:s14], $0x8000  }
.Ltmp0:
0x301: {  	[sflag:s14] =	ssyncset.done $0x0;
	(pc) =	sbr.rel @p0 .LBB2_1-.Ltmp0, $4  }
0x302: {  	[sflag:s14] =	ssyncadd.s32 $0xFFFF8000  }
0x303: {  	_ =	swait.ge [sflag:s15], $0x8000  }
0x304: {  	[sflag:s15] =	ssyncset.done $0x0  }
0x305: {  	s5 =	sadd.s32 $0xFFFFFFFF, s5;
	[sflag:s15] =	ssyncadd.s32 $0xFFFF8000  }
0x306: {  	_ =	sfence.sel $0x180000  }
0x307: {  	[bflag:$0x0] =	sbarrier.arrive $0xFFFF  }
0x308: {  	_ =	strace $0x90000047  }
0x309: {  	s0 =	stileid.u32;
	[bflag:$0x2] =	sbarrier.arrive $0xFFFF  }
0x30a: {  	p0 =	sne.s32 s0, $0x0;
	s0 =	rddreg [dreg:$0x3]  }
0x30b: {  	s0 =	sadd.s32 @!p0 $0x100000, s0  }
0x30c: {  	[sflag:s0] =	ssyncadd.tile.s32 @!p0 $0x1;
	_ =	shalt  }
.Lfunc_end2:
_tile_overlayer_lowered:
.L_overlay_start_2:
0x30d: {  	(tag) =	ssettag $0x2  }
0x30e: {  	s0 =	rddreg [dreg:$0x0];
	s2 =	stileid.u32  }
0x30f: {  	s1 =	rddreg [dreg:$0x1];
	p0 =	sne.s32 s2, $0x0  }
0x310: {  	s3 =	rddreg [dreg:$0x2];
	[bflag:$0x3] =	sbarrier.arrive $0xFFFF;
	s2 =	simm.s32 @!p0 $0x1C05  }
0x311: {  	[timem:s3], [sflag:s2] =	dma.local @!p0 [hbm:s0], s1  }
0x312: {  	s0 =	simm.s32 @!p0 $0x5  }
0x313: {  	_ =	swait.ge @!p0 [sflag:s0], s1  }
0x314: {  	s1 =	ssub.s32 @!p0 $0x0, s1;
	[sflag:s0] =	ssyncset.done @!p0 $0x0  }
0x315: {  	[sflag:s0] =	ssyncadd.s32 @!p0 s1  }
0x316: {  	[bflag:$0x3] =	sbarrier.arrive $0xFFFF  }
0x317: {  	_ =	shalt  }

</sc_bundles>
